<compile_context>
chip_gen: v7x
topology: tpu7x:2x2x1
jax: 0.10.2.dev20260603
libtpu: 0.0.44.dev20260713+nightly
codegen_flags: <defaults>
</compile_context>

<pallas_src>
import functools

import jax
import jax.numpy as jnp
from jax import lax
from jax.experimental import pallas as pl
from jax.experimental.pallas import tpu as pltpu
from jax.experimental.pallas import tpu_sc as plsc

NC = 2
NS = 16
NW = NC * NS
L = 16
NEIGH = 7
G = 56


@functools.lru_cache(maxsize=None)
def _gather_mean(n_out_pad: int, n_chunks: int, d: int):
  mesh = plsc.VectorSubcoreMesh(core_axis_name="c", subcore_axis_name="s")

  @functools.partial(
      pl.kernel,
      out_type=jax.ShapeDtypeStruct((n_out_pad, d), jnp.float32),
      mesh=mesh,
      scratch_types=[
          pltpu.VMEM((NEIGH, G), jnp.int32),
          pltpu.VMEM((NEIGH, G, d), jnp.float32),
          pltpu.VMEM((G, d), jnp.float32),
          pltpu.SemaphoreType.DMA,
          pltpu.SemaphoreType.DMA,
      ],
  )
  def kern(xt_hbm, dnit_hbm, out_hbm, idx_v, rows_v, out_v, gsem, osem):
    wid = lax.axis_index("s") * NC + lax.axis_index("c")

    def chunk_body(ci, carry):
      base = (wid * n_chunks + ci) * G
      for k in range(NEIGH):
        pltpu.sync_copy(dnit_hbm.at[pl.ds(k * n_out_pad + base, G)], idx_v.at[k])
      copies = [
          pltpu.async_copy(xt_hbm.at[idx_v.at[k]], rows_v.at[k], gsem)
          for k in range(NEIGH)
      ]
      for c in copies:
        c.wait()

      def row_body(r, _):
        def col_body(j, __):
          sl = pl.ds(j * L, L)
          acc = rows_v[0, r, sl]
          for k in range(1, NEIGH):
            acc = acc + rows_v[k, r, sl]
          out_v[r, sl] = acc * (1.0 / NEIGH)
          return __
        return lax.fori_loop(0, d // L, col_body, _, unroll=4)

      lax.fori_loop(0, G, row_body, 0)
      pltpu.async_copy(out_v, out_hbm.at[pl.ds(base, G)], osem).wait()
      return carry

    lax.fori_loop(0, n_chunks, chunk_body, 0)

  return kern


def kernel(x, down_neigh_indices, down_indices):
  b, c, n_in = x.shape
  d = b * c
  n_out = down_indices.shape[0]

  dni = jnp.take(down_neigh_indices, down_indices, axis=0)
  per_w = -(-n_out // NW)
  n_chunks = -(-per_w // G)
  n_out_pad = NW * n_chunks * G
  dni_t = jnp.pad(dni.T.astype(jnp.int32),
                  ((0, 0), (0, n_out_pad - n_out))).reshape(-1)

  xt = jnp.transpose(x.reshape(d, n_in))

  out_t = _gather_mean(n_out_pad, n_chunks, d)(xt, dni_t)
  return jnp.transpose(out_t[:n_out]).reshape(b, c, n_out)

# --- scband reference (transcript-rebuilt; emitter-appended) ---
"""Pipeline reference for scband-ico-pool-8641474199778 (READ-ONLY COPY).

The authoritative reference and input builder live on the scoring server;
editing this copy changes nothing except your own understanding.
"""

import jax, jax.numpy as jnp
import numpy as np

B, C, N_IN = 8, 32, 163842
N_OUT, NEIGH = 40962, 7

def setup_inputs(seed: int = 0) -> dict:
    key = jax.random.key(seed)
    k1, k2 = jax.random.split(key)
    x = jax.random.normal(k1, (B, C, N_IN), dtype=jnp.float32)
    down_neigh_indices = jax.random.randint(k2, (N_IN, NEIGH), 0, N_IN, dtype=jnp.int64 if jax.config.jax_enable_x64 else jnp.int32).astype(jnp.int32)
    down_indices = jnp.arange(N_OUT, dtype=jnp.int32)
    return {"x": x, "down_neigh_indices": down_neigh_indices, "down_indices": down_indices}

def reference(x, down_neigh_indices, down_indices):
    # __init__: select neighborhoods of the retained (coarse) vertices
    dni = jnp.take(down_neigh_indices, down_indices, axis=0)  # [n_vertices, neigh_size]
    n_vertices, neigh_size = dni.shape
    # forward: assert n_vertices == (N_in + 6) / 4
    n_features = x.shape[1]
    gathered = jnp.take(x, dni.reshape(-1), axis=2)
    gathered = gathered.reshape(x.shape[0], n_features, n_vertices, neigh_size)
    out = jnp.mean(gathered, axis=-1)  # pooling_type == 'mean'; max_pool_indices is None
    return out

if __name__ == "__main__":
    import jax
    _d = setup_inputs()
    print(jax.jit(kernel)(*tuple(_d.values())))

</pallas_src>

<mosaic_0001>
#map = affine_map<(d0, d1) -> (0, 0)>
#map1 = affine_map<(d0, d1) -> (0)>
module attributes {stable_mosaic.version = 14 : i64} {
  func.func @kern(%arg0: i32, %arg1: i32, %arg2: memref<163842x256xf32, #tpu.memory_space<hbm>>, %arg3: memref<288512xi32, #tpu.memory_space<hbm>>, %arg4: memref<41216x256xf32, #tpu.memory_space<hbm>>, %arg5: memref<7x56xi32, #tpu.memory_space<vmem>>, %arg6: memref<7x56x256xf32, #tpu.memory_space<vmem>>, %arg7: memref<56x256xf32, #tpu.memory_space<vmem>>, %arg8: memref<!tpu.dma_semaphore, #tpu.memory_space<semaphore_mem>>, %arg9: memref<!tpu.dma_semaphore, #tpu.memory_space<semaphore_mem>>) attributes {dimension_semantics = [#tpu.dimension_semantics<core_parallel>, #tpu.dimension_semantics<subcore_parallel>], iteration_bounds = array<i64: 2, 16>, scalar_prefetch = 0 : i64, scratch_operands = 5 : i64, tpu.core_type = #tpu.core_type<sc_vector_subcore>, window_params = [{transform_indices = #map}, {transform_indices = #map1}, {transform_indices = #map}]} {
    %mul3A = arith.constant 2 : i32
    %mul3A_0 = arith.muli %arg1, %mul3A : i32
    %add3A = arith.addi %mul3A_0, %arg0 : i32
    %scan3A = arith.constant 0 : i32
    %scan3A_1 = arith.constant 0 : i32
    %scan3A_2 = arith.constant 23 : i32
    %scan3A_3 = arith.addi %scan3A_1, %scan3A_2 : i32
    %scan3A_4 = arith.constant 1 : i32
    scf.for %scan3A_6 = %scan3A_1 to %scan3A_3 step %scan3A_4  : i32 {
      %mul3A_7 = arith.constant 23 : i32
      %mul3A_8 = arith.muli %add3A, %mul3A_7 : i32
      %add3A_9 = arith.addi %mul3A_8, %scan3A_6 : i32
      %mul3A_10 = arith.constant 56 : i32
      %mul3A_11 = arith.muli %add3A_9, %mul3A_10 : i32
      %add3A_12 = arith.constant 0 : i32
      %add3A_13 = arith.addi %add3A_12, %mul3A_11 : i32
      %run_scoped3A = arith.constant 0 : i32
      "tpu.region"() ({
        %run_scoped3A_212 = tpu.sem_alloc : memref<!tpu.dma_semaphore, #tpu.memory_space<semaphore_mem>>
        %dma_start3A_213 = arith.constant 0 : i32
        %dma_start3A_214 = tpu.memref_slice %arg5[%run_scoped3A, %dma_start3A_213] : memref<7x56xi32, #tpu.memory_space<vmem>> -> memref<1x56xi32, #tpu.memory_space<vmem>>
        %dma_start3A_215 = tpu.memref_squeeze %dma_start3A_214 : memref<1x56xi32, #tpu.memory_space<vmem>> -> memref<56xi32, #tpu.memory_space<vmem>>
        %dma_start3A_216 = tpu.memref_slice %arg3[%add3A_13] : memref<288512xi32, #tpu.memory_space<hbm>> -> memref<56xi32, #tpu.memory_space<hbm>>
        %dma_start3A_217 = arith.constant 0 : i32
        %dma_start3A_218 = tpu.memref_slice %arg5[%run_scoped3A, %dma_start3A_217] : memref<7x56xi32, #tpu.memory_space<vmem>> -> memref<1x56xi32, #tpu.memory_space<vmem>>
        %dma_start3A_219 = tpu.memref_squeeze %dma_start3A_218 : memref<1x56xi32, #tpu.memory_space<vmem>> -> memref<56xi32, #tpu.memory_space<vmem>>
        %dma_start3A_220 = tpu.memref_slice %arg3[%add3A_13] : memref<288512xi32, #tpu.memory_space<hbm>> -> memref<56xi32, #tpu.memory_space<hbm>>
        tpu.enqueue_dma source(%dma_start3A_220 : memref<56xi32, #tpu.memory_space<hbm>>) target(%dma_start3A_219 : memref<56xi32, #tpu.memory_space<vmem>>) target_semaphore(%run_scoped3A_212 : memref<!tpu.dma_semaphore, #tpu.memory_space<semaphore_mem>>)
        %dma_wait3A_221 = arith.constant 0 : i32
        %dma_wait3A_222 = tpu.memref_slice %arg5[%run_scoped3A, %dma_wait3A_221] : memref<7x56xi32, #tpu.memory_space<vmem>> -> memref<1x56xi32, #tpu.memory_space<vmem>>
        %dma_wait3A_223 = tpu.memref_squeeze %dma_wait3A_222 : memref<1x56xi32, #tpu.memory_space<vmem>> -> memref<56xi32, #tpu.memory_space<vmem>>
        %dma_wait3A_224 = tpu.memref_slice %arg3[%add3A_13] : memref<288512xi32, #tpu.memory_space<hbm>> -> memref<56xi32, #tpu.memory_space<hbm>>
        %dma_wait3A_225 = arith.constant 0 : i32
        %dma_wait3A_226 = tpu.memref_slice %arg5[%run_scoped3A, %dma_wait3A_225] : memref<7x56xi32, #tpu.memory_space<vmem>> -> memref<1x56xi32, #tpu.memory_space<vmem>>
        %dma_wait3A_227 = tpu.memref_squeeze %dma_wait3A_226 : memref<1x56xi32, #tpu.memory_space<vmem>> -> memref<56xi32, #tpu.memory_space<vmem>>
        %dma_wait3A_228 = tpu.memref_slice %arg3[%add3A_13] : memref<288512xi32, #tpu.memory_space<hbm>> -> memref<56xi32, #tpu.memory_space<hbm>>
        tpu.wait_dma2 semaphore(%run_scoped3A_212 : memref<!tpu.dma_semaphore, #tpu.memory_space<semaphore_mem>>) src(%dma_wait3A_228 : memref<56xi32, #tpu.memory_space<hbm>>) dst(%dma_wait3A_227 : memref<56xi32, #tpu.memory_space<vmem>>)
        tpu.yield
      }) : () -> ()
      %add3A_14 = arith.constant 41216 : i32
      %add3A_15 = arith.addi %add3A_14, %mul3A_11 : i32
      %run_scoped3A_16 = arith.constant 1 : i32
      "tpu.region"() ({
        %run_scoped3A_212 = tpu.sem_alloc : memref<!tpu.dma_semaphore, #tpu.memory_space<semaphore_mem>>
        %dma_start3A_213 = arith.constant 0 : i32
        %dma_start3A_214 = tpu.memref_slice %arg5[%run_scoped3A_16, %dma_start3A_213] : memref<7x56xi32, #tpu.memory_space<vmem>> -> memref<1x56xi32, #tpu.memory_space<vmem>>
        %dma_start3A_215 = tpu.memref_squeeze %dma_start3A_214 : memref<1x56xi32, #tpu.memory_space<vmem>> -> memref<56xi32, #tpu.memory_space<vmem>>
        %dma_start3A_216 = tpu.memref_slice %arg3[%add3A_15] : memref<288512xi32, #tpu.memory_space<hbm>> -> memref<56xi32, #tpu.memory_space<hbm>>
        %dma_start3A_217 = arith.constant 0 : i32
        %dma_start3A_218 = tpu.memref_slice %arg5[%run_scoped3A_16, %dma_start3A_217] : memref<7x56xi32, #tpu.memory_space<vmem>> -> memref<1x56xi32, #tpu.memory_space<vmem>>
        %dma_start3A_219 = tpu.memref_squeeze %dma_start3A_218 : memref<1x56xi32, #tpu.memory_space<vmem>> -> memref<56xi32, #tpu.memory_space<vmem>>
        %dma_start3A_220 = tpu.memref_slice %arg3[%add3A_15] : memref<288512xi32, #tpu.memory_space<hbm>> -> memref<56xi32, #tpu.memory_space<hbm>>
        tpu.enqueue_dma source(%dma_start3A_220 : memref<56xi32, #tpu.memory_space<hbm>>) target(%dma_start3A_219 : memref<56xi32, #tpu.memory_space<vmem>>) target_semaphore(%run_scoped3A_212 : memref<!tpu.dma_semaphore, #tpu.memory_space<semaphore_mem>>)
        %dma_wait3A_221 = arith.constant 0 : i32
        %dma_wait3A_222 = tpu.memref_slice %arg5[%run_scoped3A_16, %dma_wait3A_221] : memref<7x56xi32, #tpu.memory_space<vmem>> -> memref<1x56xi32, #tpu.memory_space<vmem>>
        %dma_wait3A_223 = tpu.memref_squeeze %dma_wait3A_222 : memref<1x56xi32, #tpu.memory_space<vmem>> -> memref<56xi32, #tpu.memory_space<vmem>>
        %dma_wait3A_224 = tpu.memref_slice %arg3[%add3A_15] : memref<288512xi32, #tpu.memory_space<hbm>> -> memref<56xi32, #tpu.memory_space<hbm>>
        %dma_wait3A_225 = arith.constant 0 : i32
        %dma_wait3A_226 = tpu.memref_slice %arg5[%run_scoped3A_16, %dma_wait3A_225] : memref<7x56xi32, #tpu.memory_space<vmem>> -> memref<1x56xi32, #tpu.memory_space<vmem>>
        %dma_wait3A_227 = tpu.memref_squeeze %dma_wait3A_226 : memref<1x56xi32, #tpu.memory_space<vmem>> -> memref<56xi32, #tpu.memory_space<vmem>>
        %dma_wait3A_228 = tpu.memref_slice %arg3[%add3A_15] : memref<288512xi32, #tpu.memory_space<hbm>> -> memref<56xi32, #tpu.memory_space<hbm>>
        tpu.wait_dma2 semaphore(%run_scoped3A_212 : memref<!tpu.dma_semaphore, #tpu.memory_space<semaphore_mem>>) src(%dma_wait3A_228 : memref<56xi32, #tpu.memory_space<hbm>>) dst(%dma_wait3A_227 : memref<56xi32, #tpu.memory_space<vmem>>)
        tpu.yield
      }) : () -> ()
      %add3A_17 = arith.constant 82432 : i32
      %add3A_18 = arith.addi %add3A_17, %mul3A_11 : i32
      %run_scoped3A_19 = arith.constant 2 : i32
      "tpu.region"() ({
        %run_scoped3A_212 = tpu.sem_alloc : memref<!tpu.dma_semaphore, #tpu.memory_space<semaphore_mem>>
        %dma_start3A_213 = arith.constant 0 : i32
        %dma_start3A_214 = tpu.memref_slice %arg5[%run_scoped3A_19, %dma_start3A_213] : memref<7x56xi32, #tpu.memory_space<vmem>> -> memref<1x56xi32, #tpu.memory_space<vmem>>
        %dma_start3A_215 = tpu.memref_squeeze %dma_start3A_214 : memref<1x56xi32, #tpu.memory_space<vmem>> -> memref<56xi32, #tpu.memory_space<vmem>>
        %dma_start3A_216 = tpu.memref_slice %arg3[%add3A_18] : memref<288512xi32, #tpu.memory_space<hbm>> -> memref<56xi32, #tpu.memory_space<hbm>>
        %dma_start3A_217 = arith.constant 0 : i32
        %dma_start3A_218 = tpu.memref_slice %arg5[%run_scoped3A_19, %dma_start3A_217] : memref<7x56xi32, #tpu.memory_space<vmem>> -> memref<1x56xi32, #tpu.memory_space<vmem>>
        %dma_start3A_219 = tpu.memref_squeeze %dma_start3A_218 : memref<1x56xi32, #tpu.memory_space<vmem>> -> memref<56xi32, #tpu.memory_space<vmem>>
        %dma_start3A_220 = tpu.memref_slice %arg3[%add3A_18] : memref<288512xi32, #tpu.memory_space<hbm>> -> memref<56xi32, #tpu.memory_space<hbm>>
        tpu.enqueue_dma source(%dma_start3A_220 : memref<56xi32, #tpu.memory_space<hbm>>) target(%dma_start3A_219 : memref<56xi32, #tpu.memory_space<vmem>>) target_semaphore(%run_scoped3A_212 : memref<!tpu.dma_semaphore, #tpu.memory_space<semaphore_mem>>)
        %dma_wait3A_221 = arith.constant 0 : i32
        %dma_wait3A_222 = tpu.memref_slice %arg5[%run_scoped3A_19, %dma_wait3A_221] : memref<7x56xi32, #tpu.memory_space<vmem>> -> memref<1x56xi32, #tpu.memory_space<vmem>>
        %dma_wait3A_223 = tpu.memref_squeeze %dma_wait3A_222 : memref<1x56xi32, #tpu.memory_space<vmem>> -> memref<56xi32, #tpu.memory_space<vmem>>
        %dma_wait3A_224 = tpu.memref_slice %arg3[%add3A_18] : memref<288512xi32, #tpu.memory_space<hbm>> -> memref<56xi32, #tpu.memory_space<hbm>>
        %dma_wait3A_225 = arith.constant 0 : i32
        %dma_wait3A_226 = tpu.memref_slice %arg5[%run_scoped3A_19, %dma_wait3A_225] : memref<7x56xi32, #tpu.memory_space<vmem>> -> memref<1x56xi32, #tpu.memory_space<vmem>>
        %dma_wait3A_227 = tpu.memref_squeeze %dma_wait3A_226 : memref<1x56xi32, #tpu.memory_space<vmem>> -> memref<56xi32, #tpu.memory_space<vmem>>
        %dma_wait3A_228 = tpu.memref_slice %arg3[%add3A_18] : memref<288512xi32, #tpu.memory_space<hbm>> -> memref<56xi32, #tpu.memory_space<hbm>>
        tpu.wait_dma2 semaphore(%run_scoped3A_212 : memref<!tpu.dma_semaphore, #tpu.memory_space<semaphore_mem>>) src(%dma_wait3A_228 : memref<56xi32, #tpu.memory_space<hbm>>) dst(%dma_wait3A_227 : memref<56xi32, #tpu.memory_space<vmem>>)
        tpu.yield
      }) : () -> ()
      %add3A_20 = arith.constant 123648 : i32
      %add3A_21 = arith.addi %add3A_20, %mul3A_11 : i32
      %run_scoped3A_22 = arith.constant 3 : i32
      "tpu.region"() ({
        %run_scoped3A_212 = tpu.sem_alloc : memref<!tpu.dma_semaphore, #tpu.memory_space<semaphore_mem>>
        %dma_start3A_213 = arith.constant 0 : i32
        %dma_start3A_214 = tpu.memref_slice %arg5[%run_scoped3A_22, %dma_start3A_213] : memref<7x56xi32, #tpu.memory_space<vmem>> -> memref<1x56xi32, #tpu.memory_space<vmem>>
        %dma_start3A_215 = tpu.memref_squeeze %dma_start3A_214 : memref<1x56xi32, #tpu.memory_space<vmem>> -> memref<56xi32, #tpu.memory_space<vmem>>
        %dma_start3A_216 = tpu.memref_slice %arg3[%add3A_21] : memref<288512xi32, #tpu.memory_space<hbm>> -> memref<56xi32, #tpu.memory_space<hbm>>
        %dma_start3A_217 = arith.constant 0 : i32
        %dma_start3A_218 = tpu.memref_slice %arg5[%run_scoped3A_22, %dma_start3A_217] : memref<7x56xi32, #tpu.memory_space<vmem>> -> memref<1x56xi32, #tpu.memory_space<vmem>>
        %dma_start3A_219 = tpu.memref_squeeze %dma_start3A_218 : memref<1x56xi32, #tpu.memory_space<vmem>> -> memref<56xi32, #tpu.memory_space<vmem>>
        %dma_start3A_220 = tpu.memref_slice %arg3[%add3A_21] : memref<288512xi32, #tpu.memory_space<hbm>> -> memref<56xi32, #tpu.memory_space<hbm>>
        tpu.enqueue_dma source(%dma_start3A_220 : memref<56xi32, #tpu.memory_space<hbm>>) target(%dma_start3A_219 : memref<56xi32, #tpu.memory_space<vmem>>) target_semaphore(%run_scoped3A_212 : memref<!tpu.dma_semaphore, #tpu.memory_space<semaphore_mem>>)
        %dma_wait3A_221 = arith.constant 0 : i32
        %dma_wait3A_222 = tpu.memref_slice %arg5[%run_scoped3A_22, %dma_wait3A_221] : memref<7x56xi32, #tpu.memory_space<vmem>> -> memref<1x56xi32, #tpu.memory_space<vmem>>
        %dma_wait3A_223 = tpu.memref_squeeze %dma_wait3A_222 : memref<1x56xi32, #tpu.memory_space<vmem>> -> memref<56xi32, #tpu.memory_space<vmem>>
        %dma_wait3A_224 = tpu.memref_slice %arg3[%add3A_21] : memref<288512xi32, #tpu.memory_space<hbm>> -> memref<56xi32, #tpu.memory_space<hbm>>
        %dma_wait3A_225 = arith.constant 0 : i32
        %dma_wait3A_226 = tpu.memref_slice %arg5[%run_scoped3A_22, %dma_wait3A_225] : memref<7x56xi32, #tpu.memory_space<vmem>> -> memref<1x56xi32, #tpu.memory_space<vmem>>
        %dma_wait3A_227 = tpu.memref_squeeze %dma_wait3A_226 : memref<1x56xi32, #tpu.memory_space<vmem>> -> memref<56xi32, #tpu.memory_space<vmem>>
        %dma_wait3A_228 = tpu.memref_slice %arg3[%add3A_21] : memref<288512xi32, #tpu.memory_space<hbm>> -> memref<56xi32, #tpu.memory_space<hbm>>
        tpu.wait_dma2 semaphore(%run_scoped3A_212 : memref<!tpu.dma_semaphore, #tpu.memory_space<semaphore_mem>>) src(%dma_wait3A_228 : memref<56xi32, #tpu.memory_space<hbm>>) dst(%dma_wait3A_227 : memref<56xi32, #tpu.memory_space<vmem>>)
        tpu.yield
      }) : () -> ()
      %add3A_23 = arith.constant 164864 : i32
      %add3A_24 = arith.addi %add3A_23, %mul3A_11 : i32
      %run_scoped3A_25 = arith.constant 4 : i32
      "tpu.region"() ({
        %run_scoped3A_212 = tpu.sem_alloc : memref<!tpu.dma_semaphore, #tpu.memory_space<semaphore_mem>>
        %dma_start3A_213 = arith.constant 0 : i32
        %dma_start3A_214 = tpu.memref_slice %arg5[%run_scoped3A_25, %dma_start3A_213] : memref<7x56xi32, #tpu.memory_space<vmem>> -> memref<1x56xi32, #tpu.memory_space<vmem>>
        %dma_start3A_215 = tpu.memref_squeeze %dma_start3A_214 : memref<1x56xi32, #tpu.memory_space<vmem>> -> memref<56xi32, #tpu.memory_space<vmem>>
        %dma_start3A_216 = tpu.memref_slice %arg3[%add3A_24] : memref<288512xi32, #tpu.memory_space<hbm>> -> memref<56xi32, #tpu.memory_space<hbm>>
        %dma_start3A_217 = arith.constant 0 : i32
        %dma_start3A_218 = tpu.memref_slice %arg5[%run_scoped3A_25, %dma_start3A_217] : memref<7x56xi32, #tpu.memory_space<vmem>> -> memref<1x56xi32, #tpu.memory_space<vmem>>
        %dma_start3A_219 = tpu.memref_squeeze %dma_start3A_218 : memref<1x56xi32, #tpu.memory_space<vmem>> -> memref<56xi32, #tpu.memory_space<vmem>>
        %dma_start3A_220 = tpu.memref_slice %arg3[%add3A_24] : memref<288512xi32, #tpu.memory_space<hbm>> -> memref<56xi32, #tpu.memory_space<hbm>>
        tpu.enqueue_dma source(%dma_start3A_220 : memref<56xi32, #tpu.memory_space<hbm>>) target(%dma_start3A_219 : memref<56xi32, #tpu.memory_space<vmem>>) target_semaphore(%run_scoped3A_212 : memref<!tpu.dma_semaphore, #tpu.memory_space<semaphore_mem>>)
        %dma_wait3A_221 = arith.constant 0 : i32
        %dma_wait3A_222 = tpu.memref_slice %arg5[%run_scoped3A_25, %dma_wait3A_221] : memref<7x56xi32, #tpu.memory_space<vmem>> -> memref<1x56xi32, #tpu.memory_space<vmem>>
        %dma_wait3A_223 = tpu.memref_squeeze %dma_wait3A_222 : memref<1x56xi32, #tpu.memory_space<vmem>> -> memref<56xi32, #tpu.memory_space<vmem>>
        %dma_wait3A_224 = tpu.memref_slice %arg3[%add3A_24] : memref<288512xi32, #tpu.memory_space<hbm>> -> memref<56xi32, #tpu.memory_space<hbm>>
        %dma_wait3A_225 = arith.constant 0 : i32
        %dma_wait3A_226 = tpu.memref_slice %arg5[%run_scoped3A_25, %dma_wait3A_225] : memref<7x56xi32, #tpu.memory_space<vmem>> -> memref<1x56xi32, #tpu.memory_space<vmem>>
        %dma_wait3A_227 = tpu.memref_squeeze %dma_wait3A_226 : memref<1x56xi32, #tpu.memory_space<vmem>> -> memref<56xi32, #tpu.memory_space<vmem>>
        %dma_wait3A_228 = tpu.memref_slice %arg3[%add3A_24] : memref<288512xi32, #tpu.memory_space<hbm>> -> memref<56xi32, #tpu.memory_space<hbm>>
        tpu.wait_dma2 semaphore(%run_scoped3A_212 : memref<!tpu.dma_semaphore, #tpu.memory_space<semaphore_mem>>) src(%dma_wait3A_228 : memref<56xi32, #tpu.memory_space<hbm>>) dst(%dma_wait3A_227 : memref<56xi32, #tpu.memory_space<vmem>>)
        tpu.yield
      }) : () -> ()
      %add3A_26 = arith.constant 206080 : i32
      %add3A_27 = arith.addi %add3A_26, %mul3A_11 : i32
      %run_scoped3A_28 = arith.constant 5 : i32
      "tpu.region"() ({
        %run_scoped3A_212 = tpu.sem_alloc : memref<!tpu.dma_semaphore, #tpu.memory_space<semaphore_mem>>
        %dma_start3A_213 = arith.constant 0 : i32
        %dma_start3A_214 = tpu.memref_slice %arg5[%run_scoped3A_28, %dma_start3A_213] : memref<7x56xi32, #tpu.memory_space<vmem>> -> memref<1x56xi32, #tpu.memory_space<vmem>>
        %dma_start3A_215 = tpu.memref_squeeze %dma_start3A_214 : memref<1x56xi32, #tpu.memory_space<vmem>> -> memref<56xi32, #tpu.memory_space<vmem>>
        %dma_start3A_216 = tpu.memref_slice %arg3[%add3A_27] : memref<288512xi32, #tpu.memory_space<hbm>> -> memref<56xi32, #tpu.memory_space<hbm>>
        %dma_start3A_217 = arith.constant 0 : i32
        %dma_start3A_218 = tpu.memref_slice %arg5[%run_scoped3A_28, %dma_start3A_217] : memref<7x56xi32, #tpu.memory_space<vmem>> -> memref<1x56xi32, #tpu.memory_space<vmem>>
        %dma_start3A_219 = tpu.memref_squeeze %dma_start3A_218 : memref<1x56xi32, #tpu.memory_space<vmem>> -> memref<56xi32, #tpu.memory_space<vmem>>
        %dma_start3A_220 = tpu.memref_slice %arg3[%add3A_27] : memref<288512xi32, #tpu.memory_space<hbm>> -> memref<56xi32, #tpu.memory_space<hbm>>
        tpu.enqueue_dma source(%dma_start3A_220 : memref<56xi32, #tpu.memory_space<hbm>>) target(%dma_start3A_219 : memref<56xi32, #tpu.memory_space<vmem>>) target_semaphore(%run_scoped3A_212 : memref<!tpu.dma_semaphore, #tpu.memory_space<semaphore_mem>>)
        %dma_wait3A_221 = arith.constant 0 : i32
        %dma_wait3A_222 = tpu.memref_slice %arg5[%run_scoped3A_28, %dma_wait3A_221] : memref<7x56xi32, #tpu.memory_space<vmem>> -> memref<1x56xi32, #tpu.memory_space<vmem>>
        %dma_wait3A_223 = tpu.memref_squeeze %dma_wait3A_222 : memref<1x56xi32, #tpu.memory_space<vmem>> -> memref<56xi32, #tpu.memory_space<vmem>>
        %dma_wait3A_224 = tpu.memref_slice %arg3[%add3A_27] : memref<288512xi32, #tpu.memory_space<hbm>> -> memref<56xi32, #tpu.memory_space<hbm>>
        %dma_wait3A_225 = arith.constant 0 : i32
        %dma_wait3A_226 = tpu.memref_slice %arg5[%run_scoped3A_28, %dma_wait3A_225] : memref<7x56xi32, #tpu.memory_space<vmem>> -> memref<1x56xi32, #tpu.memory_space<vmem>>
        %dma_wait3A_227 = tpu.memref_squeeze %dma_wait3A_226 : memref<1x56xi32, #tpu.memory_space<vmem>> -> memref<56xi32, #tpu.memory_space<vmem>>
        %dma_wait3A_228 = tpu.memref_slice %arg3[%add3A_27] : memref<288512xi32, #tpu.memory_space<hbm>> -> memref<56xi32, #tpu.memory_space<hbm>>
        tpu.wait_dma2 semaphore(%run_scoped3A_212 : memref<!tpu.dma_semaphore, #tpu.memory_space<semaphore_mem>>) src(%dma_wait3A_228 : memref<56xi32, #tpu.memory_space<hbm>>) dst(%dma_wait3A_227 : memref<56xi32, #tpu.memory_space<vmem>>)
        tpu.yield
      }) : () -> ()
      %add3A_29 = arith.constant 247296 : i32
      %add3A_30 = arith.addi %add3A_29, %mul3A_11 : i32
      %run_scoped3A_31 = arith.constant 6 : i32
      "tpu.region"() ({
        %run_scoped3A_212 = tpu.sem_alloc : memref<!tpu.dma_semaphore, #tpu.memory_space<semaphore_mem>>
        %dma_start3A_213 = arith.constant 0 : i32
        %dma_start3A_214 = tpu.memref_slice %arg5[%run_scoped3A_31, %dma_start3A_213] : memref<7x56xi32, #tpu.memory_space<vmem>> -> memref<1x56xi32, #tpu.memory_space<vmem>>
        %dma_start3A_215 = tpu.memref_squeeze %dma_start3A_214 : memref<1x56xi32, #tpu.memory_space<vmem>> -> memref<56xi32, #tpu.memory_space<vmem>>
        %dma_start3A_216 = tpu.memref_slice %arg3[%add3A_30] : memref<288512xi32, #tpu.memory_space<hbm>> -> memref<56xi32, #tpu.memory_space<hbm>>
        %dma_start3A_217 = arith.constant 0 : i32
        %dma_start3A_218 = tpu.memref_slice %arg5[%run_scoped3A_31, %dma_start3A_217] : memref<7x56xi32, #tpu.memory_space<vmem>> -> memref<1x56xi32, #tpu.memory_space<vmem>>
        %dma_start3A_219 = tpu.memref_squeeze %dma_start3A_218 : memref<1x56xi32, #tpu.memory_space<vmem>> -> memref<56xi32, #tpu.memory_space<vmem>>
        %dma_start3A_220 = tpu.memref_slice %arg3[%add3A_30] : memref<288512xi32, #tpu.memory_space<hbm>> -> memref<56xi32, #tpu.memory_space<hbm>>
        tpu.enqueue_dma source(%dma_start3A_220 : memref<56xi32, #tpu.memory_space<hbm>>) target(%dma_start3A_219 : memref<56xi32, #tpu.memory_space<vmem>>) target_semaphore(%run_scoped3A_212 : memref<!tpu.dma_semaphore, #tpu.memory_space<semaphore_mem>>)
        %dma_wait3A_221 = arith.constant 0 : i32
        %dma_wait3A_222 = tpu.memref_slice %arg5[%run_scoped3A_31, %dma_wait3A_221] : memref<7x56xi32, #tpu.memory_space<vmem>> -> memref<1x56xi32, #tpu.memory_space<vmem>>
        %dma_wait3A_223 = tpu.memref_squeeze %dma_wait3A_222 : memref<1x56xi32, #tpu.memory_space<vmem>> -> memref<56xi32, #tpu.memory_space<vmem>>
        %dma_wait3A_224 = tpu.memref_slice %arg3[%add3A_30] : memref<288512xi32, #tpu.memory_space<hbm>> -> memref<56xi32, #tpu.memory_space<hbm>>
        %dma_wait3A_225 = arith.constant 0 : i32
        %dma_wait3A_226 = tpu.memref_slice %arg5[%run_scoped3A_31, %dma_wait3A_225] : memref<7x56xi32, #tpu.memory_space<vmem>> -> memref<1x56xi32, #tpu.memory_space<vmem>>
        %dma_wait3A_227 = tpu.memref_squeeze %dma_wait3A_226 : memref<1x56xi32, #tpu.memory_space<vmem>> -> memref<56xi32, #tpu.memory_space<vmem>>
        %dma_wait3A_228 = tpu.memref_slice %arg3[%add3A_30] : memref<288512xi32, #tpu.memory_space<hbm>> -> memref<56xi32, #tpu.memory_space<hbm>>
        tpu.wait_dma2 semaphore(%run_scoped3A_212 : memref<!tpu.dma_semaphore, #tpu.memory_space<semaphore_mem>>) src(%dma_wait3A_228 : memref<56xi32, #tpu.memory_space<hbm>>) dst(%dma_wait3A_227 : memref<56xi32, #tpu.memory_space<vmem>>)
        tpu.yield
      }) : () -> ()
      %dma_start3A = arith.constant 0 : i32
      %dma_start3A_32 = arith.constant 0 : i32
      %dma_start3A_33 = arith.constant 0 : i32
      %dma_start3A_34 = arith.constant 0 : i32
      %dma_start3A_35 = tpu.memref_slice %arg6[%dma_start3A_32, %dma_start3A_33, %dma_start3A_34] : memref<7x56x256xf32, #tpu.memory_space<vmem>> -> memref<1x56x256xf32, #tpu.memory_space<vmem>>
      %dma_start3A_36 = tpu.memref_squeeze %dma_start3A_35 : memref<1x56x256xf32, #tpu.memory_space<vmem>> -> memref<56x256xf32, #tpu.memory_space<vmem>>
      %dma_start3A_37 = arith.constant 0 : i32
      %dma_start3A_38 = tpu.memref_slice %arg5[%dma_start3A, %dma_start3A_37] : memref<7x56xi32, #tpu.memory_space<vmem>> -> memref<1x56xi32, #tpu.memory_space<vmem>>
      %dma_start3A_39 = tpu.memref_squeeze %dma_start3A_38 : memref<1x56xi32, #tpu.memory_space<vmem>> -> memref<56xi32, #tpu.memory_space<vmem>>
      %dma_start3A_40 = arith.constant 0 : i32
      %dma_start3A_41 = arith.constant 0 : i32
      %dma_start3A_42 = tpu.memref_slice %arg2[%dma_start3A_40, %dma_start3A_41] : memref<163842x256xf32, #tpu.memory_space<hbm>> -> memref<163842x256xf32, #tpu.memory_space<hbm>>
      tpu.enqueue_indirect_dma source(%dma_start3A_42 : memref<163842x256xf32, #tpu.memory_space<hbm>>) target(%dma_start3A_36 : memref<56x256xf32, #tpu.memory_space<vmem>>) offsets(%dma_start3A_39 : memref<56xi32, #tpu.memory_space<vmem>>) semaphore(%arg8 : memref<!tpu.dma_semaphore, #tpu.memory_space<semaphore_mem>>)
      %dma_start3A_43 = arith.constant 1 : i32
      %dma_start3A_44 = arith.constant 1 : i32
      %dma_start3A_45 = arith.constant 0 : i32
      %dma_start3A_46 = arith.constant 0 : i32
      %dma_start3A_47 = tpu.memref_slice %arg6[%dma_start3A_44, %dma_start3A_45, %dma_start3A_46] : memref<7x56x256xf32, #tpu.memory_space<vmem>> -> memref<1x56x256xf32, #tpu.memory_space<vmem>>
      %dma_start3A_48 = tpu.memref_squeeze %dma_start3A_47 : memref<1x56x256xf32, #tpu.memory_space<vmem>> -> memref<56x256xf32, #tpu.memory_space<vmem>>
      %dma_start3A_49 = arith.constant 0 : i32
      %dma_start3A_50 = tpu.memref_slice %arg5[%dma_start3A_43, %dma_start3A_49] : memref<7x56xi32, #tpu.memory_space<vmem>> -> memref<1x56xi32, #tpu.memory_space<vmem>>
      %dma_start3A_51 = tpu.memref_squeeze %dma_start3A_50 : memref<1x56xi32, #tpu.memory_space<vmem>> -> memref<56xi32, #tpu.memory_space<vmem>>
      %dma_start3A_52 = arith.constant 0 : i32
      %dma_start3A_53 = arith.constant 0 : i32
      %dma_start3A_54 = tpu.memref_slice %arg2[%dma_start3A_52, %dma_start3A_53] : memref<163842x256xf32, #tpu.memory_space<hbm>> -> memref<163842x256xf32, #tpu.memory_space<hbm>>
      tpu.enqueue_indirect_dma source(%dma_start3A_54 : memref<163842x256xf32, #tpu.memory_space<hbm>>) target(%dma_start3A_48 : memref<56x256xf32, #tpu.memory_space<vmem>>) offsets(%dma_start3A_51 : memref<56xi32, #tpu.memory_space<vmem>>) semaphore(%arg8 : memref<!tpu.dma_semaphore, #tpu.memory_space<semaphore_mem>>)
      %dma_start3A_55 = arith.constant 2 : i32
      %dma_start3A_56 = arith.constant 2 : i32
      %dma_start3A_57 = arith.constant 0 : i32
      %dma_start3A_58 = arith.constant 0 : i32
      %dma_start3A_59 = tpu.memref_slice %arg6[%dma_start3A_56, %dma_start3A_57, %dma_start3A_58] : memref<7x56x256xf32, #tpu.memory_space<vmem>> -> memref<1x56x256xf32, #tpu.memory_space<vmem>>
      %dma_start3A_60 = tpu.memref_squeeze %dma_start3A_59 : memref<1x56x256xf32, #tpu.memory_space<vmem>> -> memref<56x256xf32, #tpu.memory_space<vmem>>
      %dma_start3A_61 = arith.constant 0 : i32
      %dma_start3A_62 = tpu.memref_slice %arg5[%dma_start3A_55, %dma_start3A_61] : memref<7x56xi32, #tpu.memory_space<vmem>> -> memref<1x56xi32, #tpu.memory_space<vmem>>
      %dma_start3A_63 = tpu.memref_squeeze %dma_start3A_62 : memref<1x56xi32, #tpu.memory_space<vmem>> -> memref<56xi32, #tpu.memory_space<vmem>>
      %dma_start3A_64 = arith.constant 0 : i32
      %dma_start3A_65 = arith.constant 0 : i32
      %dma_start3A_66 = tpu.memref_slice %arg2[%dma_start3A_64, %dma_start3A_65] : memref<163842x256xf32, #tpu.memory_space<hbm>> -> memref<163842x256xf32, #tpu.memory_space<hbm>>
      tpu.enqueue_indirect_dma source(%dma_start3A_66 : memref<163842x256xf32, #tpu.memory_space<hbm>>) target(%dma_start3A_60 : memref<56x256xf32, #tpu.memory_space<vmem>>) offsets(%dma_start3A_63 : memref<56xi32, #tpu.memory_space<vmem>>) semaphore(%arg8 : memref<!tpu.dma_semaphore, #tpu.memory_space<semaphore_mem>>)
      %dma_start3A_67 = arith.constant 3 : i32
      %dma_start3A_68 = arith.constant 3 : i32
      %dma_start3A_69 = arith.constant 0 : i32
      %dma_start3A_70 = arith.constant 0 : i32
      %dma_start3A_71 = tpu.memref_slice %arg6[%dma_start3A_68, %dma_start3A_69, %dma_start3A_70] : memref<7x56x256xf32, #tpu.memory_space<vmem>> -> memref<1x56x256xf32, #tpu.memory_space<vmem>>
      %dma_start3A_72 = tpu.memref_squeeze %dma_start3A_71 : memref<1x56x256xf32, #tpu.memory_space<vmem>> -> memref<56x256xf32, #tpu.memory_space<vmem>>
      %dma_start3A_73 = arith.constant 0 : i32
      %dma_start3A_74 = tpu.memref_slice %arg5[%dma_start3A_67, %dma_start3A_73] : memref<7x56xi32, #tpu.memory_space<vmem>> -> memref<1x56xi32, #tpu.memory_space<vmem>>
      %dma_start3A_75 = tpu.memref_squeeze %dma_start3A_74 : memref<1x56xi32, #tpu.memory_space<vmem>> -> memref<56xi32, #tpu.memory_space<vmem>>
      %dma_start3A_76 = arith.constant 0 : i32
      %dma_start3A_77 = arith.constant 0 : i32
      %dma_start3A_78 = tpu.memref_slice %arg2[%dma_start3A_76, %dma_start3A_77] : memref<163842x256xf32, #tpu.memory_space<hbm>> -> memref<163842x256xf32, #tpu.memory_space<hbm>>
      tpu.enqueue_indirect_dma source(%dma_start3A_78 : memref<163842x256xf32, #tpu.memory_space<hbm>>) target(%dma_start3A_72 : memref<56x256xf32, #tpu.memory_space<vmem>>) offsets(%dma_start3A_75 : memref<56xi32, #tpu.memory_space<vmem>>) semaphore(%arg8 : memref<!tpu.dma_semaphore, #tpu.memory_space<semaphore_mem>>)
      %dma_start3A_79 = arith.constant 4 : i32
      %dma_start3A_80 = arith.constant 4 : i32
      %dma_start3A_81 = arith.constant 0 : i32
      %dma_start3A_82 = arith.constant 0 : i32
      %dma_start3A_83 = tpu.memref_slice %arg6[%dma_start3A_80, %dma_start3A_81, %dma_start3A_82] : memref<7x56x256xf32, #tpu.memory_space<vmem>> -> memref<1x56x256xf32, #tpu.memory_space<vmem>>
      %dma_start3A_84 = tpu.memref_squeeze %dma_start3A_83 : memref<1x56x256xf32, #tpu.memory_space<vmem>> -> memref<56x256xf32, #tpu.memory_space<vmem>>
      %dma_start3A_85 = arith.constant 0 : i32
      %dma_start3A_86 = tpu.memref_slice %arg5[%dma_start3A_79, %dma_start3A_85] : memref<7x56xi32, #tpu.memory_space<vmem>> -> memref<1x56xi32, #tpu.memory_space<vmem>>
      %dma_start3A_87 = tpu.memref_squeeze %dma_start3A_86 : memref<1x56xi32, #tpu.memory_space<vmem>> -> memref<56xi32, #tpu.memory_space<vmem>>
      %dma_start3A_88 = arith.constant 0 : i32
      %dma_start3A_89 = arith.constant 0 : i32
      %dma_start3A_90 = tpu.memref_slice %arg2[%dma_start3A_88, %dma_start3A_89] : memref<163842x256xf32, #tpu.memory_space<hbm>> -> memref<163842x256xf32, #tpu.memory_space<hbm>>
      tpu.enqueue_indirect_dma source(%dma_start3A_90 : memref<163842x256xf32, #tpu.memory_space<hbm>>) target(%dma_start3A_84 : memref<56x256xf32, #tpu.memory_space<vmem>>) offsets(%dma_start3A_87 : memref<56xi32, #tpu.memory_space<vmem>>) semaphore(%arg8 : memref<!tpu.dma_semaphore, #tpu.memory_space<semaphore_mem>>)
      %dma_start3A_91 = arith.constant 5 : i32
      %dma_start3A_92 = arith.constant 5 : i32
      %dma_start3A_93 = arith.constant 0 : i32
      %dma_start3A_94 = arith.constant 0 : i32
      %dma_start3A_95 = tpu.memref_slice %arg6[%dma_start3A_92, %dma_start3A_93, %dma_start3A_94] : memref<7x56x256xf32, #tpu.memory_space<vmem>> -> memref<1x56x256xf32, #tpu.memory_space<vmem>>
      %dma_start3A_96 = tpu.memref_squeeze %dma_start3A_95 : memref<1x56x256xf32, #tpu.memory_space<vmem>> -> memref<56x256xf32, #tpu.memory_space<vmem>>
      %dma_start3A_97 = arith.constant 0 : i32
      %dma_start3A_98 = tpu.memref_slice %arg5[%dma_start3A_91, %dma_start3A_97] : memref<7x56xi32, #tpu.memory_space<vmem>> -> memref<1x56xi32, #tpu.memory_space<vmem>>
      %dma_start3A_99 = tpu.memref_squeeze %dma_start3A_98 : memref<1x56xi32, #tpu.memory_space<vmem>> -> memref<56xi32, #tpu.memory_space<vmem>>
      %dma_start3A_100 = arith.constant 0 : i32
      %dma_start3A_101 = arith.constant 0 : i32
      %dma_start3A_102 = tpu.memref_slice %arg2[%dma_start3A_100, %dma_start3A_101] : memref<163842x256xf32, #tpu.memory_space<hbm>> -> memref<163842x256xf32, #tpu.memory_space<hbm>>
      tpu.enqueue_indirect_dma source(%dma_start3A_102 : memref<163842x256xf32, #tpu.memory_space<hbm>>) target(%dma_start3A_96 : memref<56x256xf32, #tpu.memory_space<vmem>>) offsets(%dma_start3A_99 : memref<56xi32, #tpu.memory_space<vmem>>) semaphore(%arg8 : memref<!tpu.dma_semaphore, #tpu.memory_space<semaphore_mem>>)
      %dma_start3A_103 = arith.constant 6 : i32
      %dma_start3A_104 = arith.constant 6 : i32
      %dma_start3A_105 = arith.constant 0 : i32
      %dma_start3A_106 = arith.constant 0 : i32
      %dma_start3A_107 = tpu.memref_slice %arg6[%dma_start3A_104, %dma_start3A_105, %dma_start3A_106] : memref<7x56x256xf32, #tpu.memory_space<vmem>> -> memref<1x56x256xf32, #tpu.memory_space<vmem>>
      %dma_start3A_108 = tpu.memref_squeeze %dma_start3A_107 : memref<1x56x256xf32, #tpu.memory_space<vmem>> -> memref<56x256xf32, #tpu.memory_space<vmem>>
      %dma_start3A_109 = arith.constant 0 : i32
      %dma_start3A_110 = tpu.memref_slice %arg5[%dma_start3A_103, %dma_start3A_109] : memref<7x56xi32, #tpu.memory_space<vmem>> -> memref<1x56xi32, #tpu.memory_space<vmem>>
      %dma_start3A_111 = tpu.memref_squeeze %dma_start3A_110 : memref<1x56xi32, #tpu.memory_space<vmem>> -> memref<56xi32, #tpu.memory_space<vmem>>
      %dma_start3A_112 = arith.constant 0 : i32
      %dma_start3A_113 = arith.constant 0 : i32
      %dma_start3A_114 = tpu.memref_slice %arg2[%dma_start3A_112, %dma_start3A_113] : memref<163842x256xf32, #tpu.memory_space<hbm>> -> memref<163842x256xf32, #tpu.memory_space<hbm>>
      tpu.enqueue_indirect_dma source(%dma_start3A_114 : memref<163842x256xf32, #tpu.memory_space<hbm>>) target(%dma_start3A_108 : memref<56x256xf32, #tpu.memory_space<vmem>>) offsets(%dma_start3A_111 : memref<56xi32, #tpu.memory_space<vmem>>) semaphore(%arg8 : memref<!tpu.dma_semaphore, #tpu.memory_space<semaphore_mem>>)
      %dma_wait3A = arith.constant 0 : i32
      %dma_wait3A_115 = arith.constant 0 : i32
      %dma_wait3A_116 = arith.constant 0 : i32
      %dma_wait3A_117 = arith.constant 0 : i32
      %dma_wait3A_118 = tpu.memref_slice %arg6[%dma_wait3A_115, %dma_wait3A_116, %dma_wait3A_117] : memref<7x56x256xf32, #tpu.memory_space<vmem>> -> memref<1x56x256xf32, #tpu.memory_space<vmem>>
      %dma_wait3A_119 = tpu.memref_squeeze %dma_wait3A_118 : memref<1x56x256xf32, #tpu.memory_space<vmem>> -> memref<56x256xf32, #tpu.memory_space<vmem>>
      %dma_wait3A_120 = arith.constant 0 : i32
      %dma_wait3A_121 = tpu.memref_slice %arg5[%dma_wait3A, %dma_wait3A_120] : memref<7x56xi32, #tpu.memory_space<vmem>> -> memref<1x56xi32, #tpu.memory_space<vmem>>
      %dma_wait3A_122 = tpu.memref_squeeze %dma_wait3A_121 : memref<1x56xi32, #tpu.memory_space<vmem>> -> memref<56xi32, #tpu.memory_space<vmem>>
      %dma_wait3A_123 = arith.constant 0 : i32
      %dma_wait3A_124 = arith.constant 0 : i32
      %dma_wait3A_125 = tpu.memref_slice %arg2[%dma_wait3A_123, %dma_wait3A_124] : memref<163842x256xf32, #tpu.memory_space<hbm>> -> memref<163842x256xf32, #tpu.memory_space<hbm>>
      tpu.wait_indirect_dma semaphore(%arg8 : memref<!tpu.dma_semaphore, #tpu.memory_space<semaphore_mem>>) src(%dma_wait3A_125 : memref<163842x256xf32, #tpu.memory_space<hbm>>) dst(%dma_wait3A_119 : memref<56x256xf32, #tpu.memory_space<vmem>>)
      %dma_wait3A_126 = arith.constant 1 : i32
      %dma_wait3A_127 = arith.constant 1 : i32
      %dma_wait3A_128 = arith.constant 0 : i32
      %dma_wait3A_129 = arith.constant 0 : i32
      %dma_wait3A_130 = tpu.memref_slice %arg6[%dma_wait3A_127, %dma_wait3A_128, %dma_wait3A_129] : memref<7x56x256xf32, #tpu.memory_space<vmem>> -> memref<1x56x256xf32, #tpu.memory_space<vmem>>
      %dma_wait3A_131 = tpu.memref_squeeze %dma_wait3A_130 : memref<1x56x256xf32, #tpu.memory_space<vmem>> -> memref<56x256xf32, #tpu.memory_space<vmem>>
      %dma_wait3A_132 = arith.constant 0 : i32
      %dma_wait3A_133 = tpu.memref_slice %arg5[%dma_wait3A_126, %dma_wait3A_132] : memref<7x56xi32, #tpu.memory_space<vmem>> -> memref<1x56xi32, #tpu.memory_space<vmem>>
      %dma_wait3A_134 = tpu.memref_squeeze %dma_wait3A_133 : memref<1x56xi32, #tpu.memory_space<vmem>> -> memref<56xi32, #tpu.memory_space<vmem>>
      %dma_wait3A_135 = arith.constant 0 : i32
      %dma_wait3A_136 = arith.constant 0 : i32
      %dma_wait3A_137 = tpu.memref_slice %arg2[%dma_wait3A_135, %dma_wait3A_136] : memref<163842x256xf32, #tpu.memory_space<hbm>> -> memref<163842x256xf32, #tpu.memory_space<hbm>>
      tpu.wait_indirect_dma semaphore(%arg8 : memref<!tpu.dma_semaphore, #tpu.memory_space<semaphore_mem>>) src(%dma_wait3A_137 : memref<163842x256xf32, #tpu.memory_space<hbm>>) dst(%dma_wait3A_131 : memref<56x256xf32, #tpu.memory_space<vmem>>)
      %dma_wait3A_138 = arith.constant 2 : i32
      %dma_wait3A_139 = arith.constant 2 : i32
      %dma_wait3A_140 = arith.constant 0 : i32
      %dma_wait3A_141 = arith.constant 0 : i32
      %dma_wait3A_142 = tpu.memref_slice %arg6[%dma_wait3A_139, %dma_wait3A_140, %dma_wait3A_141] : memref<7x56x256xf32, #tpu.memory_space<vmem>> -> memref<1x56x256xf32, #tpu.memory_space<vmem>>
      %dma_wait3A_143 = tpu.memref_squeeze %dma_wait3A_142 : memref<1x56x256xf32, #tpu.memory_space<vmem>> -> memref<56x256xf32, #tpu.memory_space<vmem>>
      %dma_wait3A_144 = arith.constant 0 : i32
      %dma_wait3A_145 = tpu.memref_slice %arg5[%dma_wait3A_138, %dma_wait3A_144] : memref<7x56xi32, #tpu.memory_space<vmem>> -> memref<1x56xi32, #tpu.memory_space<vmem>>
      %dma_wait3A_146 = tpu.memref_squeeze %dma_wait3A_145 : memref<1x56xi32, #tpu.memory_space<vmem>> -> memref<56xi32, #tpu.memory_space<vmem>>
      %dma_wait3A_147 = arith.constant 0 : i32
      %dma_wait3A_148 = arith.constant 0 : i32
      %dma_wait3A_149 = tpu.memref_slice %arg2[%dma_wait3A_147, %dma_wait3A_148] : memref<163842x256xf32, #tpu.memory_space<hbm>> -> memref<163842x256xf32, #tpu.memory_space<hbm>>
      tpu.wait_indirect_dma semaphore(%arg8 : memref<!tpu.dma_semaphore, #tpu.memory_space<semaphore_mem>>) src(%dma_wait3A_149 : memref<163842x256xf32, #tpu.memory_space<hbm>>) dst(%dma_wait3A_143 : memref<56x256xf32, #tpu.memory_space<vmem>>)
      %dma_wait3A_150 = arith.constant 3 : i32
      %dma_wait3A_151 = arith.constant 3 : i32
      %dma_wait3A_152 = arith.constant 0 : i32
      %dma_wait3A_153 = arith.constant 0 : i32
      %dma_wait3A_154 = tpu.memref_slice %arg6[%dma_wait3A_151, %dma_wait3A_152, %dma_wait3A_153] : memref<7x56x256xf32, #tpu.memory_space<vmem>> -> memref<1x56x256xf32, #tpu.memory_space<vmem>>
      %dma_wait3A_155 = tpu.memref_squeeze %dma_wait3A_154 : memref<1x56x256xf32, #tpu.memory_space<vmem>> -> memref<56x256xf32, #tpu.memory_space<vmem>>
      %dma_wait3A_156 = arith.constant 0 : i32
      %dma_wait3A_157 = tpu.memref_slice %arg5[%dma_wait3A_150, %dma_wait3A_156] : memref<7x56xi32, #tpu.memory_space<vmem>> -> memref<1x56xi32, #tpu.memory_space<vmem>>
      %dma_wait3A_158 = tpu.memref_squeeze %dma_wait3A_157 : memref<1x56xi32, #tpu.memory_space<vmem>> -> memref<56xi32, #tpu.memory_space<vmem>>
      %dma_wait3A_159 = arith.constant 0 : i32
      %dma_wait3A_160 = arith.constant 0 : i32
      %dma_wait3A_161 = tpu.memref_slice %arg2[%dma_wait3A_159, %dma_wait3A_160] : memref<163842x256xf32, #tpu.memory_space<hbm>> -> memref<163842x256xf32, #tpu.memory_space<hbm>>
      tpu.wait_indirect_dma semaphore(%arg8 : memref<!tpu.dma_semaphore, #tpu.memory_space<semaphore_mem>>) src(%dma_wait3A_161 : memref<163842x256xf32, #tpu.memory_space<hbm>>) dst(%dma_wait3A_155 : memref<56x256xf32, #tpu.memory_space<vmem>>)
      %dma_wait3A_162 = arith.constant 4 : i32
      %dma_wait3A_163 = arith.constant 4 : i32
      %dma_wait3A_164 = arith.constant 0 : i32
      %dma_wait3A_165 = arith.constant 0 : i32
      %dma_wait3A_166 = tpu.memref_slice %arg6[%dma_wait3A_163, %dma_wait3A_164, %dma_wait3A_165] : memref<7x56x256xf32, #tpu.memory_space<vmem>> -> memref<1x56x256xf32, #tpu.memory_space<vmem>>
      %dma_wait3A_167 = tpu.memref_squeeze %dma_wait3A_166 : memref<1x56x256xf32, #tpu.memory_space<vmem>> -> memref<56x256xf32, #tpu.memory_space<vmem>>
      %dma_wait3A_168 = arith.constant 0 : i32
      %dma_wait3A_169 = tpu.memref_slice %arg5[%dma_wait3A_162, %dma_wait3A_168] : memref<7x56xi32, #tpu.memory_space<vmem>> -> memref<1x56xi32, #tpu.memory_space<vmem>>
      %dma_wait3A_170 = tpu.memref_squeeze %dma_wait3A_169 : memref<1x56xi32, #tpu.memory_space<vmem>> -> memref<56xi32, #tpu.memory_space<vmem>>
      %dma_wait3A_171 = arith.constant 0 : i32
      %dma_wait3A_172 = arith.constant 0 : i32
      %dma_wait3A_173 = tpu.memref_slice %arg2[%dma_wait3A_171, %dma_wait3A_172] : memref<163842x256xf32, #tpu.memory_space<hbm>> -> memref<163842x256xf32, #tpu.memory_space<hbm>>
      tpu.wait_indirect_dma semaphore(%arg8 : memref<!tpu.dma_semaphore, #tpu.memory_space<semaphore_mem>>) src(%dma_wait3A_173 : memref<163842x256xf32, #tpu.memory_space<hbm>>) dst(%dma_wait3A_167 : memref<56x256xf32, #tpu.memory_space<vmem>>)
      %dma_wait3A_174 = arith.constant 5 : i32
      %dma_wait3A_175 = arith.constant 5 : i32
      %dma_wait3A_176 = arith.constant 0 : i32
      %dma_wait3A_177 = arith.constant 0 : i32
      %dma_wait3A_178 = tpu.memref_slice %arg6[%dma_wait3A_175, %dma_wait3A_176, %dma_wait3A_177] : memref<7x56x256xf32, #tpu.memory_space<vmem>> -> memref<1x56x256xf32, #tpu.memory_space<vmem>>
      %dma_wait3A_179 = tpu.memref_squeeze %dma_wait3A_178 : memref<1x56x256xf32, #tpu.memory_space<vmem>> -> memref<56x256xf32, #tpu.memory_space<vmem>>
      %dma_wait3A_180 = arith.constant 0 : i32
      %dma_wait3A_181 = tpu.memref_slice %arg5[%dma_wait3A_174, %dma_wait3A_180] : memref<7x56xi32, #tpu.memory_space<vmem>> -> memref<1x56xi32, #tpu.memory_space<vmem>>
      %dma_wait3A_182 = tpu.memref_squeeze %dma_wait3A_181 : memref<1x56xi32, #tpu.memory_space<vmem>> -> memref<56xi32, #tpu.memory_space<vmem>>
      %dma_wait3A_183 = arith.constant 0 : i32
      %dma_wait3A_184 = arith.constant 0 : i32
      %dma_wait3A_185 = tpu.memref_slice %arg2[%dma_wait3A_183, %dma_wait3A_184] : memref<163842x256xf32, #tpu.memory_space<hbm>> -> memref<163842x256xf32, #tpu.memory_space<hbm>>
      tpu.wait_indirect_dma semaphore(%arg8 : memref<!tpu.dma_semaphore, #tpu.memory_space<semaphore_mem>>) src(%dma_wait3A_185 : memref<163842x256xf32, #tpu.memory_space<hbm>>) dst(%dma_wait3A_179 : memref<56x256xf32, #tpu.memory_space<vmem>>)
      %dma_wait3A_186 = arith.constant 6 : i32
      %dma_wait3A_187 = arith.constant 6 : i32
      %dma_wait3A_188 = arith.constant 0 : i32
      %dma_wait3A_189 = arith.constant 0 : i32
      %dma_wait3A_190 = tpu.memref_slice %arg6[%dma_wait3A_187, %dma_wait3A_188, %dma_wait3A_189] : memref<7x56x256xf32, #tpu.memory_space<vmem>> -> memref<1x56x256xf32, #tpu.memory_space<vmem>>
      %dma_wait3A_191 = tpu.memref_squeeze %dma_wait3A_190 : memref<1x56x256xf32, #tpu.memory_space<vmem>> -> memref<56x256xf32, #tpu.memory_space<vmem>>
      %dma_wait3A_192 = arith.constant 0 : i32
      %dma_wait3A_193 = tpu.memref_slice %arg5[%dma_wait3A_186, %dma_wait3A_192] : memref<7x56xi32, #tpu.memory_space<vmem>> -> memref<1x56xi32, #tpu.memory_space<vmem>>
      %dma_wait3A_194 = tpu.memref_squeeze %dma_wait3A_193 : memref<1x56xi32, #tpu.memory_space<vmem>> -> memref<56xi32, #tpu.memory_space<vmem>>
      %dma_wait3A_195 = arith.constant 0 : i32
      %dma_wait3A_196 = arith.constant 0 : i32
      %dma_wait3A_197 = tpu.memref_slice %arg2[%dma_wait3A_195, %dma_wait3A_196] : memref<163842x256xf32, #tpu.memory_space<hbm>> -> memref<163842x256xf32, #tpu.memory_space<hbm>>
      tpu.wait_indirect_dma semaphore(%arg8 : memref<!tpu.dma_semaphore, #tpu.memory_space<semaphore_mem>>) src(%dma_wait3A_197 : memref<163842x256xf32, #tpu.memory_space<hbm>>) dst(%dma_wait3A_191 : memref<56x256xf32, #tpu.memory_space<vmem>>)
      %scan3A_198 = arith.constant 0 : i32
      %scan3A_199 = arith.constant 0 : i32
      %scan3A_200 = arith.constant 56 : i32
      %scan3A_201 = arith.addi %scan3A_199, %scan3A_200 : i32
      %scan3A_202 = arith.constant 1 : i32
      scf.for %scan3A_212 = %scan3A_199 to %scan3A_201 step %scan3A_202  : i32 {
        %scan3A_213 = arith.constant 0 : i32
        %scan3A_214 = arith.constant 16 : i32
        %scan3A_215 = arith.addi %scan3A_213, %scan3A_214 : i32
        %scan3A_216 = arith.constant 4 : i32
        scf.for %scan3A_218 = %scan3A_213 to %scan3A_215 step %scan3A_216  : i32 {
          %mul3A_219 = arith.constant 16 : i32
          %mul3A_220 = arith.muli %scan3A_218, %mul3A_219 : i32
          %get3A = arith.constant 0 : i32
          %get3A_221 = arith.index_cast %get3A : i32 to index
          %get3A_222 = arith.index_cast %scan3A_212 : i32 to index
          %get3A_223 = arith.index_cast %mul3A_220 : i32 to index
          %get3A_224 = tpu.vector_load %arg6[%get3A_221, %get3A_222, %get3A_223] {strides = array<i32>} : memref<7x56x256xf32, #tpu.memory_space<vmem>>, vector<1x1x16xf32>,
          %get3A_225 = vector.shape_cast %get3A_224 : vector<1x1x16xf32> to vector<16xf32>
          %get3A_226 = arith.constant 1 : i32
          %get3A_227 = arith.index_cast %get3A_226 : i32 to index
          %get3A_228 = arith.index_cast %scan3A_212 : i32 to index
          %get3A_229 = arith.index_cast %mul3A_220 : i32 to index
          %get3A_230 = tpu.vector_load %arg6[%get3A_227, %get3A_228, %get3A_229] {strides = array<i32>} : memref<7x56x256xf32, #tpu.memory_space<vmem>>, vector<1x1x16xf32>,
          %get3A_231 = vector.shape_cast %get3A_230 : vector<1x1x16xf32> to vector<16xf32>
          %add3A_232 = arith.addf %get3A_225, %get3A_231 : vector<16xf32>
          %get3A_233 = arith.constant 2 : i32
          %get3A_234 = arith.index_cast %get3A_233 : i32 to index
          %get3A_235 = arith.index_cast %scan3A_212 : i32 to index
          %get3A_236 = arith.index_cast %mul3A_220 : i32 to index
          %get3A_237 = tpu.vector_load %arg6[%get3A_234, %get3A_235, %get3A_236] {strides = array<i32>} : memref<7x56x256xf32, #tpu.memory_space<vmem>>, vector<1x1x16xf32>,
          %get3A_238 = vector.shape_cast %get3A_237 : vector<1x1x16xf32> to vector<16xf32>
          %add3A_239 = arith.addf %add3A_232, %get3A_238 : vector<16xf32>
          %get3A_240 = arith.constant 3 : i32
          %get3A_241 = arith.index_cast %get3A_240 : i32 to index
          %get3A_242 = arith.index_cast %scan3A_212 : i32 to index
          %get3A_243 = arith.index_cast %mul3A_220 : i32 to index
          %get3A_244 = tpu.vector_load %arg6[%get3A_241, %get3A_242, %get3A_243] {strides = array<i32>} : memref<7x56x256xf32, #tpu.memory_space<vmem>>, vector<1x1x16xf32>,
          %get3A_245 = vector.shape_cast %get3A_244 : vector<1x1x16xf32> to vector<16xf32>
          %add3A_246 = arith.addf %add3A_239, %get3A_245 : vector<16xf32>
          %get3A_247 = arith.constant 4 : i32
          %get3A_248 = arith.index_cast %get3A_247 : i32 to index
          %get3A_249 = arith.index_cast %scan3A_212 : i32 to index
          %get3A_250 = arith.index_cast %mul3A_220 : i32 to index
          %get3A_251 = tpu.vector_load %arg6[%get3A_248, %get3A_249, %get3A_250] {strides = array<i32>} : memref<7x56x256xf32, #tpu.memory_space<vmem>>, vector<1x1x16xf32>,
          %get3A_252 = vector.shape_cast %get3A_251 : vector<1x1x16xf32> to vector<16xf32>
          %add3A_253 = arith.addf %add3A_246, %get3A_252 : vector<16xf32>
          %get3A_254 = arith.constant 5 : i32
          %get3A_255 = arith.index_cast %get3A_254 : i32 to index
          %get3A_256 = arith.index_cast %scan3A_212 : i32 to index
          %get3A_257 = arith.index_cast %mul3A_220 : i32 to index
          %get3A_258 = tpu.vector_load %arg6[%get3A_255, %get3A_256, %get3A_257] {strides = array<i32>} : memref<7x56x256xf32, #tpu.memory_space<vmem>>, vector<1x1x16xf32>,
          %get3A_259 = vector.shape_cast %get3A_258 : vector<1x1x16xf32> to vector<16xf32>
          %add3A_260 = arith.addf %add3A_253, %get3A_259 : vector<16xf32>
          %get3A_261 = arith.constant 6 : i32
          %get3A_262 = arith.index_cast %get3A_261 : i32 to index
          %get3A_263 = arith.index_cast %scan3A_212 : i32 to index
          %get3A_264 = arith.index_cast %mul3A_220 : i32 to index
          %get3A_265 = tpu.vector_load %arg6[%get3A_262, %get3A_263, %get3A_264] {strides = array<i32>} : memref<7x56x256xf32, #tpu.memory_space<vmem>>, vector<1x1x16xf32>,
          %get3A_266 = vector.shape_cast %get3A_265 : vector<1x1x16xf32> to vector<16xf32>
          %add3A_267 = arith.addf %add3A_260, %get3A_266 : vector<16xf32>
          %mul3A_268 = arith.constant 0.142857149 : f32
          %mul3A_269 = vector.broadcast %mul3A_268 : f32 to vector<16xf32>
          %mul3A_270 = arith.mulf %add3A_267, %mul3A_269 : vector<16xf32>
          %swap3A = arith.index_cast %scan3A_212 : i32 to index
          %swap3A_271 = arith.index_cast %mul3A_220 : i32 to index
          %swap3A_272 = tpu.vector_load %arg7[%swap3A, %swap3A_271] {strides = array<i32>} : memref<56x256xf32, #tpu.memory_space<vmem>>, vector<1x16xf32>,
          %swap3A_273 = vector.shape_cast %swap3A_272 : vector<1x16xf32> to vector<16xf32>
          %swap3A_274 = vector.shape_cast %mul3A_270 : vector<16xf32> to vector<1x16xf32>
          tpu.vector_store %arg7[%swap3A, %swap3A_271], %swap3A_274 {strides = array<i32>} : memref<56x256xf32, #tpu.memory_space<vmem>>, vector<1x16xf32>,
          %scan3A_275 = arith.constant 1 : i32
          %scan3A_276 = arith.addi %scan3A_218, %scan3A_275 : i32
          %mul3A_277 = arith.constant 16 : i32
          %mul3A_278 = arith.muli %scan3A_276, %mul3A_277 : i32
          %get3A_279 = arith.constant 0 : i32
          %get3A_280 = arith.index_cast %get3A_279 : i32 to index
          %get3A_281 = arith.index_cast %scan3A_212 : i32 to index
          %get3A_282 = arith.index_cast %mul3A_278 : i32 to index
          %get3A_283 = tpu.vector_load %arg6[%get3A_280, %get3A_281, %get3A_282] {strides = array<i32>} : memref<7x56x256xf32, #tpu.memory_space<vmem>>, vector<1x1x16xf32>,
          %get3A_284 = vector.shape_cast %get3A_283 : vector<1x1x16xf32> to vector<16xf32>
          %get3A_285 = arith.constant 1 : i32
          %get3A_286 = arith.index_cast %get3A_285 : i32 to index
          %get3A_287 = arith.index_cast %scan3A_212 : i32 to index
          %get3A_288 = arith.index_cast %mul3A_278 : i32 to index
          %get3A_289 = tpu.vector_load %arg6[%get3A_286, %get3A_287, %get3A_288] {strides = array<i32>} : memref<7x56x256xf32, #tpu.memory_space<vmem>>, vector<1x1x16xf32>,
          %get3A_290 = vector.shape_cast %get3A_289 : vector<1x1x16xf32> to vector<16xf32>
          %add3A_291 = arith.addf %get3A_284, %get3A_290 : vector<16xf32>
          %get3A_292 = arith.constant 2 : i32
          %get3A_293 = arith.index_cast %get3A_292 : i32 to index
          %get3A_294 = arith.index_cast %scan3A_212 : i32 to index
          %get3A_295 = arith.index_cast %mul3A_278 : i32 to index
          %get3A_296 = tpu.vector_load %arg6[%get3A_293, %get3A_294, %get3A_295] {strides = array<i32>} : memref<7x56x256xf32, #tpu.memory_space<vmem>>, vector<1x1x16xf32>,
          %get3A_297 = vector.shape_cast %get3A_296 : vector<1x1x16xf32> to vector<16xf32>
          %add3A_298 = arith.addf %add3A_291, %get3A_297 : vector<16xf32>
          %get3A_299 = arith.constant 3 : i32
          %get3A_300 = arith.index_cast %get3A_299 : i32 to index
          %get3A_301 = arith.index_cast %scan3A_212 : i32 to index
          %get3A_302 = arith.index_cast %mul3A_278 : i32 to index
          %get3A_303 = tpu.vector_load %arg6[%get3A_300, %get3A_301, %get3A_302] {strides = array<i32>} : memref<7x56x256xf32, #tpu.memory_space<vmem>>, vector<1x1x16xf32>,
          %get3A_304 = vector.shape_cast %get3A_303 : vector<1x1x16xf32> to vector<16xf32>
          %add3A_305 = arith.addf %add3A_298, %get3A_304 : vector<16xf32>
          %get3A_306 = arith.constant 4 : i32
          %get3A_307 = arith.index_cast %get3A_306 : i32 to index
          %get3A_308 = arith.index_cast %scan3A_212 : i32 to index
          %get3A_309 = arith.index_cast %mul3A_278 : i32 to index
          %get3A_310 = tpu.vector_load %arg6[%get3A_307, %get3A_308, %get3A_309] {strides = array<i32>} : memref<7x56x256xf32, #tpu.memory_space<vmem>>, vector<1x1x16xf32>,
          %get3A_311 = vector.shape_cast %get3A_310 : vector<1x1x16xf32> to vector<16xf32>
          %add3A_312 = arith.addf %add3A_305, %get3A_311 : vector<16xf32>
          %get3A_313 = arith.constant 5 : i32
          %get3A_314 = arith.index_cast %get3A_313 : i32 to index
          %get3A_315 = arith.index_cast %scan3A_212 : i32 to index
          %get3A_316 = arith.index_cast %mul3A_278 : i32 to index
          %get3A_317 = tpu.vector_load %arg6[%get3A_314, %get3A_315, %get3A_316] {strides = array<i32>} : memref<7x56x256xf32, #tpu.memory_space<vmem>>, vector<1x1x16xf32>,
          %get3A_318 = vector.shape_cast %get3A_317 : vector<1x1x16xf32> to vector<16xf32>
          %add3A_319 = arith.addf %add3A_312, %get3A_318 : vector<16xf32>
          %get3A_320 = arith.constant 6 : i32
          %get3A_321 = arith.index_cast %get3A_320 : i32 to index
          %get3A_322 = arith.index_cast %scan3A_212 : i32 to index
          %get3A_323 = arith.index_cast %mul3A_278 : i32 to index
          %get3A_324 = tpu.vector_load %arg6[%get3A_321, %get3A_322, %get3A_323] {strides = array<i32>} : memref<7x56x256xf32, #tpu.memory_space<vmem>>, vector<1x1x16xf32>,
          %get3A_325 = vector.shape_cast %get3A_324 : vector<1x1x16xf32> to vector<16xf32>
          %add3A_326 = arith.addf %add3A_319, %get3A_325 : vector<16xf32>
          %mul3A_327 = arith.constant 0.142857149 : f32
          %mul3A_328 = vector.broadcast %mul3A_327 : f32 to vector<16xf32>
          %mul3A_329 = arith.mulf %add3A_326, %mul3A_328 : vector<16xf32>
          %swap3A_330 = arith.index_cast %scan3A_212 : i32 to index
          %swap3A_331 = arith.index_cast %mul3A_278 : i32 to index
          %swap3A_332 = tpu.vector_load %arg7[%swap3A_330, %swap3A_331] {strides = array<i32>} : memref<56x256xf32, #tpu.memory_space<vmem>>, vector<1x16xf32>,
          %swap3A_333 = vector.shape_cast %swap3A_332 : vector<1x16xf32> to vector<16xf32>
          %swap3A_334 = vector.shape_cast %mul3A_329 : vector<16xf32> to vector<1x16xf32>
          tpu.vector_store %arg7[%swap3A_330, %swap3A_331], %swap3A_334 {strides = array<i32>} : memref<56x256xf32, #tpu.memory_space<vmem>>, vector<1x16xf32>,
          %scan3A_335 = arith.constant 2 : i32
          %scan3A_336 = arith.addi %scan3A_218, %scan3A_335 : i32
          %mul3A_337 = arith.constant 16 : i32
          %mul3A_338 = arith.muli %scan3A_336, %mul3A_337 : i32
          %get3A_339 = arith.constant 0 : i32
          %get3A_340 = arith.index_cast %get3A_339 : i32 to index
          %get3A_341 = arith.index_cast %scan3A_212 : i32 to index
          %get3A_342 = arith.index_cast %mul3A_338 : i32 to index
          %get3A_343 = tpu.vector_load %arg6[%get3A_340, %get3A_341, %get3A_342] {strides = array<i32>} : memref<7x56x256xf32, #tpu.memory_space<vmem>>, vector<1x1x16xf32>,
          %get3A_344 = vector.shape_cast %get3A_343 : vector<1x1x16xf32> to vector<16xf32>
          %get3A_345 = arith.constant 1 : i32
          %get3A_346 = arith.index_cast %get3A_345 : i32 to index
          %get3A_347 = arith.index_cast %scan3A_212 : i32 to index
          %get3A_348 = arith.index_cast %mul3A_338 : i32 to index
          %get3A_349 = tpu.vector_load %arg6[%get3A_346, %get3A_347, %get3A_348] {strides = array<i32>} : memref<7x56x256xf32, #tpu.memory_space<vmem>>, vector<1x1x16xf32>,
          %get3A_350 = vector.shape_cast %get3A_349 : vector<1x1x16xf32> to vector<16xf32>
          %add3A_351 = arith.addf %get3A_344, %get3A_350 : vector<16xf32>
          %get3A_352 = arith.constant 2 : i32
          %get3A_353 = arith.index_cast %get3A_352 : i32 to index
          %get3A_354 = arith.index_cast %scan3A_212 : i32 to index
          %get3A_355 = arith.index_cast %mul3A_338 : i32 to index
          %get3A_356 = tpu.vector_load %arg6[%get3A_353, %get3A_354, %get3A_355] {strides = array<i32>} : memref<7x56x256xf32, #tpu.memory_space<vmem>>, vector<1x1x16xf32>,
          %get3A_357 = vector.shape_cast %get3A_356 : vector<1x1x16xf32> to vector<16xf32>
          %add3A_358 = arith.addf %add3A_351, %get3A_357 : vector<16xf32>
          %get3A_359 = arith.constant 3 : i32
          %get3A_360 = arith.index_cast %get3A_359 : i32 to index
          %get3A_361 = arith.index_cast %scan3A_212 : i32 to index
          %get3A_362 = arith.index_cast %mul3A_338 : i32 to index
          %get3A_363 = tpu.vector_load %arg6[%get3A_360, %get3A_361, %get3A_362] {strides = array<i32>} : memref<7x56x256xf32, #tpu.memory_space<vmem>>, vector<1x1x16xf32>,
          %get3A_364 = vector.shape_cast %get3A_363 : vector<1x1x16xf32> to vector<16xf32>
          %add3A_365 = arith.addf %add3A_358, %get3A_364 : vector<16xf32>
          %get3A_366 = arith.constant 4 : i32
          %get3A_367 = arith.index_cast %get3A_366 : i32 to index
          %get3A_368 = arith.index_cast %scan3A_212 : i32 to index
          %get3A_369 = arith.index_cast %mul3A_338 : i32 to index
          %get3A_370 = tpu.vector_load %arg6[%get3A_367, %get3A_368, %get3A_369] {strides = array<i32>} : memref<7x56x256xf32, #tpu.memory_space<vmem>>, vector<1x1x16xf32>,
          %get3A_371 = vector.shape_cast %get3A_370 : vector<1x1x16xf32> to vector<16xf32>
          %add3A_372 = arith.addf %add3A_365, %get3A_371 : vector<16xf32>
          %get3A_373 = arith.constant 5 : i32
          %get3A_374 = arith.index_cast %get3A_373 : i32 to index
          %get3A_375 = arith.index_cast %scan3A_212 : i32 to index
          %get3A_376 = arith.index_cast %mul3A_338 : i32 to index
          %get3A_377 = tpu.vector_load %arg6[%get3A_374, %get3A_375, %get3A_376] {strides = array<i32>} : memref<7x56x256xf32, #tpu.memory_space<vmem>>, vector<1x1x16xf32>,
          %get3A_378 = vector.shape_cast %get3A_377 : vector<1x1x16xf32> to vector<16xf32>
          %add3A_379 = arith.addf %add3A_372, %get3A_378 : vector<16xf32>
          %get3A_380 = arith.constant 6 : i32
          %get3A_381 = arith.index_cast %get3A_380 : i32 to index
          %get3A_382 = arith.index_cast %scan3A_212 : i32 to index
          %get3A_383 = arith.index_cast %mul3A_338 : i32 to index
          %get3A_384 = tpu.vector_load %arg6[%get3A_381, %get3A_382, %get3A_383] {strides = array<i32>} : memref<7x56x256xf32, #tpu.memory_space<vmem>>, vector<1x1x16xf32>,
          %get3A_385 = vector.shape_cast %get3A_384 : vector<1x1x16xf32> to vector<16xf32>
          %add3A_386 = arith.addf %add3A_379, %get3A_385 : vector<16xf32>
          %mul3A_387 = arith.constant 0.142857149 : f32
          %mul3A_388 = vector.broadcast %mul3A_387 : f32 to vector<16xf32>
          %mul3A_389 = arith.mulf %add3A_386, %mul3A_388 : vector<16xf32>
          %swap3A_390 = arith.index_cast %scan3A_212 : i32 to index
          %swap3A_391 = arith.index_cast %mul3A_338 : i32 to index
          %swap3A_392 = tpu.vector_load %arg7[%swap3A_390, %swap3A_391] {strides = array<i32>} : memref<56x256xf32, #tpu.memory_space<vmem>>, vector<1x16xf32>,
          %swap3A_393 = vector.shape_cast %swap3A_392 : vector<1x16xf32> to vector<16xf32>
          %swap3A_394 = vector.shape_cast %mul3A_389 : vector<16xf32> to vector<1x16xf32>
          tpu.vector_store %arg7[%swap3A_390, %swap3A_391], %swap3A_394 {strides = array<i32>} : memref<56x256xf32, #tpu.memory_space<vmem>>, vector<1x16xf32>,
          %scan3A_395 = arith.constant 3 : i32
          %scan3A_396 = arith.addi %scan3A_218, %scan3A_395 : i32
          %mul3A_397 = arith.constant 16 : i32
          %mul3A_398 = arith.muli %scan3A_396, %mul3A_397 : i32
          %get3A_399 = arith.constant 0 : i32
          %get3A_400 = arith.index_cast %get3A_399 : i32 to index
          %get3A_401 = arith.index_cast %scan3A_212 : i32 to index
          %get3A_402 = arith.index_cast %mul3A_398 : i32 to index
          %get3A_403 = tpu.vector_load %arg6[%get3A_400, %get3A_401, %get3A_402] {strides = array<i32>} : memref<7x56x256xf32, #tpu.memory_space<vmem>>, vector<1x1x16xf32>,
          %get3A_404 = vector.shape_cast %get3A_403 : vector<1x1x16xf32> to vector<16xf32>
          %get3A_405 = arith.constant 1 : i32
          %get3A_406 = arith.index_cast %get3A_405 : i32 to index
          %get3A_407 = arith.index_cast %scan3A_212 : i32 to index
          %get3A_408 = arith.index_cast %mul3A_398 : i32 to index
          %get3A_409 = tpu.vector_load %arg6[%get3A_406, %get3A_407, %get3A_408] {strides = array<i32>} : memref<7x56x256xf32, #tpu.memory_space<vmem>>, vector<1x1x16xf32>,
          %get3A_410 = vector.shape_cast %get3A_409 : vector<1x1x16xf32> to vector<16xf32>
          %add3A_411 = arith.addf %get3A_404, %get3A_410 : vector<16xf32>
          %get3A_412 = arith.constant 2 : i32
          %get3A_413 = arith.index_cast %get3A_412 : i32 to index
          %get3A_414 = arith.index_cast %scan3A_212 : i32 to index
          %get3A_415 = arith.index_cast %mul3A_398 : i32 to index
          %get3A_416 = tpu.vector_load %arg6[%get3A_413, %get3A_414, %get3A_415] {strides = array<i32>} : memref<7x56x256xf32, #tpu.memory_space<vmem>>, vector<1x1x16xf32>,
          %get3A_417 = vector.shape_cast %get3A_416 : vector<1x1x16xf32> to vector<16xf32>
          %add3A_418 = arith.addf %add3A_411, %get3A_417 : vector<16xf32>
          %get3A_419 = arith.constant 3 : i32
          %get3A_420 = arith.index_cast %get3A_419 : i32 to index
          %get3A_421 = arith.index_cast %scan3A_212 : i32 to index
          %get3A_422 = arith.index_cast %mul3A_398 : i32 to index
          %get3A_423 = tpu.vector_load %arg6[%get3A_420, %get3A_421, %get3A_422] {strides = array<i32>} : memref<7x56x256xf32, #tpu.memory_space<vmem>>, vector<1x1x16xf32>,
          %get3A_424 = vector.shape_cast %get3A_423 : vector<1x1x16xf32> to vector<16xf32>
          %add3A_425 = arith.addf %add3A_418, %get3A_424 : vector<16xf32>
          %get3A_426 = arith.constant 4 : i32
          %get3A_427 = arith.index_cast %get3A_426 : i32 to index
          %get3A_428 = arith.index_cast %scan3A_212 : i32 to index
          %get3A_429 = arith.index_cast %mul3A_398 : i32 to index
          %get3A_430 = tpu.vector_load %arg6[%get3A_427, %get3A_428, %get3A_429] {strides = array<i32>} : memref<7x56x256xf32, #tpu.memory_space<vmem>>, vector<1x1x16xf32>,
          %get3A_431 = vector.shape_cast %get3A_430 : vector<1x1x16xf32> to vector<16xf32>
          %add3A_432 = arith.addf %add3A_425, %get3A_431 : vector<16xf32>
          %get3A_433 = arith.constant 5 : i32
          %get3A_434 = arith.index_cast %get3A_433 : i32 to index
          %get3A_435 = arith.index_cast %scan3A_212 : i32 to index
          %get3A_436 = arith.index_cast %mul3A_398 : i32 to index
          %get3A_437 = tpu.vector_load %arg6[%get3A_434, %get3A_435, %get3A_436] {strides = array<i32>} : memref<7x56x256xf32, #tpu.memory_space<vmem>>, vector<1x1x16xf32>,
          %get3A_438 = vector.shape_cast %get3A_437 : vector<1x1x16xf32> to vector<16xf32>
          %add3A_439 = arith.addf %add3A_432, %get3A_438 : vector<16xf32>
          %get3A_440 = arith.constant 6 : i32
          %get3A_441 = arith.index_cast %get3A_440 : i32 to index
          %get3A_442 = arith.index_cast %scan3A_212 : i32 to index
          %get3A_443 = arith.index_cast %mul3A_398 : i32 to index
          %get3A_444 = tpu.vector_load %arg6[%get3A_441, %get3A_442, %get3A_443] {strides = array<i32>} : memref<7x56x256xf32, #tpu.memory_space<vmem>>, vector<1x1x16xf32>,
          %get3A_445 = vector.shape_cast %get3A_444 : vector<1x1x16xf32> to vector<16xf32>
          %add3A_446 = arith.addf %add3A_439, %get3A_445 : vector<16xf32>
          %mul3A_447 = arith.constant 0.142857149 : f32
          %mul3A_448 = vector.broadcast %mul3A_447 : f32 to vector<16xf32>
          %mul3A_449 = arith.mulf %add3A_446, %mul3A_448 : vector<16xf32>
          %swap3A_450 = arith.index_cast %scan3A_212 : i32 to index
          %swap3A_451 = arith.index_cast %mul3A_398 : i32 to index
          %swap3A_452 = tpu.vector_load %arg7[%swap3A_450, %swap3A_451] {strides = array<i32>} : memref<56x256xf32, #tpu.memory_space<vmem>>, vector<1x16xf32>,
          %swap3A_453 = vector.shape_cast %swap3A_452 : vector<1x16xf32> to vector<16xf32>
          %swap3A_454 = vector.shape_cast %mul3A_449 : vector<16xf32> to vector<1x16xf32>
          tpu.vector_store %arg7[%swap3A_450, %swap3A_451], %swap3A_454 {strides = array<i32>} : memref<56x256xf32, #tpu.memory_space<vmem>>, vector<1x16xf32>,
        }
        %scan3A_217 = arith.constant 16 : i32
      }
      %scan3A_203 = arith.constant 56 : i32
      %dma_start3A_204 = arith.constant 0 : i32
      %dma_start3A_205 = tpu.memref_slice %arg4[%mul3A_11, %dma_start3A_204] : memref<41216x256xf32, #tpu.memory_space<hbm>> -> memref<56x256xf32, #tpu.memory_space<hbm>>
      %dma_start3A_206 = arith.constant 0 : i32
      %dma_start3A_207 = tpu.memref_slice %arg4[%mul3A_11, %dma_start3A_206] : memref<41216x256xf32, #tpu.memory_space<hbm>> -> memref<56x256xf32, #tpu.memory_space<hbm>>
      tpu.enqueue_dma source(%arg7 : memref<56x256xf32, #tpu.memory_space<vmem>>) target(%dma_start3A_207 : memref<56x256xf32, #tpu.memory_space<hbm>>) target_semaphore(%arg9 : memref<!tpu.dma_semaphore, #tpu.memory_space<semaphore_mem>>)
      %dma_wait3A_208 = arith.constant 0 : i32
      %dma_wait3A_209 = tpu.memref_slice %arg4[%mul3A_11, %dma_wait3A_208] : memref<41216x256xf32, #tpu.memory_space<hbm>> -> memref<56x256xf32, #tpu.memory_space<hbm>>
      %dma_wait3A_210 = arith.constant 0 : i32
      %dma_wait3A_211 = tpu.memref_slice %arg4[%mul3A_11, %dma_wait3A_210] : memref<41216x256xf32, #tpu.memory_space<hbm>> -> memref<56x256xf32, #tpu.memory_space<hbm>>
      tpu.wait_dma2 semaphore(%arg9 : memref<!tpu.dma_semaphore, #tpu.memory_space<semaphore_mem>>) src(%arg7 : memref<56x256xf32, #tpu.memory_space<vmem>>) dst(%dma_wait3A_211 : memref<56x256xf32, #tpu.memory_space<hbm>>)
    }
    %scan3A_5 = arith.constant 23 : i32
    return
  }
}

</mosaic_0001>

<sc_bundles>
// kernel: kernel.3.cloned.1.call-start
scs
__scs_entry_jumppad:
0x0: {  	(pc) =	sbr.rel $0x88, $3  }
0x1: {  	(tag) =	ssettag $0x0;
	lr =	simm.s32 $0x1  }
0x2: {  	[smem:$0x3F9E] =	sst lr;
	_ =	strace $0xD0000000  }
0x3: {  	_ = 	snop  }
0x4: {  	_ = 	snop  }
0x5: {  	_ = 	snop  }
0x6: {  	_ = 	snop  }
0x7: {  	_ = 	snop  }
__scs_overlays_trampoline_lowered:
0x8: {  	[smem:$0x3FAD] =	sst s0  }
0x9: {  	[smem:$0x3FAE] =	sst s1  }
0xa: {  	[smem:$0x3FAF] =	sst s2  }
0xb: {  	[smem:$0x3FB0] =	sst s3  }
0xc: {  	[smem:$0x3FB1] =	sst s4  }
0xd: {  	[smem:$0x3FB2] =	sst s5  }
0xe: {  	[smem:$0x3FB3] =	sst s6  }
0xf: {  	[smem:$0x3FB4] =	sst s7  }
0x10: {  	[smem:$0x3FB5] =	sst s8  }
0x11: {  	[smem:$0x3FB6] =	sst s9;
	s0 =	simm.s32 @!p0 $0x0  }
0x12: {  	s1 =	sld [smem:$0x3F9C];
	s0 =	simm.s32 @p0 $0x1  }
0x13: {  	[smem:$0x3FB7] =	sst s0;
	s0 =	simm.s32 @!p1 $0x0  }
0x14: {  	s2 =	sld [smem:$0x3F9B];
	s0 =	simm.s32 @p1 $0x1  }
0x15: {  	[smem:$0x3FB8] =	sst s0;
	s0 =	simm.s32 @!p2 $0x0  }
0x16: {  	s3 =	sld [smem:$0x3FDB];
	s0 =	simm.s32 @p2 $0x1  }
0x17: {  	s4 =	simm.s32 $0x1BF5;
	[smem:$0x3FBA] =	sst s0  }
0x18: {  	s0 =	sld [smem:$0x3F9D];
	_ =	swait.ge [sflag:s4], $0x0  }
0x19: {  	s7 =	sld [smem:$0x3F9E]  }
0x1a: {  	s8 =	sadd.s32 $0xFFFFE003, lr  }
0x1b: {  	s9 =	sadd.s32 $0xFFFFFEF7, lr;
	s5 =	simm.s32 $0xFFFFFFFF;
	p2 =	slt.u32 s8, $0xFFFFF086  }
0x1c: {  	p1 =	slt.u32 s9, $0xF7A;
	s5 =	simm.s32 @!p2 $0x0  }
0x1d: {  	s5 =	simm.s32 @p1 $0x1;
	p0 =	seq.s32 s7, s2  }
0x1e: {  	s7 =	smul.u32 @!p0 $0xF7A, s2;
	p2 =	seq.s32 @!p0 s5, $0x0  }
0x1f: {  	s9 =	smul.u32 $0xF7A, s1;
	s8 =	simm.s32 @!p0 $0x1BF5;
	p2 =	por !p2, p0  }
0x20: {  	[sflag:s8] =	ssyncset.s32 @!p0 $0xFFFFF086;
	s6 =	sadd.s32 @!p0 s3, s7;
	s7 =	simm.s32 @!p0 $0x108  }
0x21: {  	s3 =	sadd.s32 s3, s9;
	s6 =	sadd.s32 @!p0 $0x88, s6;
	s7 =	simm.s32 @p2 $0x1082  }
0x22: {  	[simem:s7], [sflag:s8] =	dma.local @!p0 [hbm:s6], $0xF7A  }
0x23: {  	s9 =	sor.u32 $0xD0000000, s2;
	s6 =	simm.s32 $0x108;
	_ =	swait.ge @!p0 [sflag:s8], $0x0  }
0x24: {  	s3 =	sadd.s32 $0x88, s3;
	s6 =	simm.s32 @!p1 $0x1082;
	[sflag:s4] =	ssyncset.s32 $0xFFFFF086  }
0x25: {  	[simem:s6], [sflag:s4] =	dma.local [hbm:s3], $0xF7A  }
0x26: {  	[smem:$0x3F9E] =	sst s1;
	(tag) =	ssettag s2;
	_ =	strace s9  }
0x27: {  	s1 =	sld [smem:$0x3FAE]  }
0x28: {  	s2 =	sld [smem:$0x3FAF]  }
0x29: {  	s4 =	sld [smem:$0x3FB1]  }
0x2a: {  	p0 =	seq.s32 s5, $0x0;
	s5 =	sld [smem:$0x3FB2]  }
0x2b: {  	s6 =	sld [smem:$0x3FB3]  }
0x2c: {  	s7 =	sld [smem:$0x3FB4]  }
0x2d: {  	s3 =	simm.s32 $0x108;
	s8 =	sld [smem:$0x3FB5]  }
0x2e: {  	s3 =	simm.s32 @!p0 $0x1082;
	s9 =	sld [smem:$0x3FB6]  }
0x2f: {  	lr =	sadd.s32 s0, s3;
	s0 =	sld [smem:$0x3FAD]  }
0x30: {  	s3 =	sld [smem:$0x3FB0]  }
0x31: {  	[smem:$0x3FB9] =	sst s10  }
0x32: {  	s10 =	sld [smem:$0x3FB7];
	_ =	sdelay $0x3  }
0x33: {  	p0 =	seq.s32 s10, $0x1;
	s10 =	sld [smem:$0x3FB9];
	_ =	sdelay $0x3  }
0x34: {  	[smem:$0x3FB9] =	sst s10  }
0x35: {  	s10 =	sld [smem:$0x3FB8];
	_ =	sdelay $0x3  }
0x36: {  	p1 =	seq.s32 s10, $0x1;
	s10 =	sld [smem:$0x3FB9];
	_ =	sdelay $0x3  }
0x37: {  	[smem:$0x3FB9] =	sst s10  }
0x38: {  	s10 =	sld [smem:$0x3FBA]  }
0x39: {  	_ = 	snop;
	(pc) =	sbr.ind lr, $3  }
0x3a: {  	_ = 	snop  }
0x3b: {  	_ = 	snop  }
0x3c: {  	p2 =	seq.s32 s10, $0x1;
	s10 =	sld [smem:$0x3FB9]  }
0x3d: {  	_ =	shalt  }
0x3e: {  	_ =	shalt  }
0x3f: {  	_ =	shalt  }
0x40: {  	_ =	shalt  }
0x41: {  	_ =	shalt  }
0x42: {  	_ =	shalt  }
0x43: {  	_ =	shalt  }
0x44: {  	_ =	shalt  }
0x45: {  	_ =	shalt  }
0x46: {  	_ =	shalt  }
0x47: {  	_ =	shalt  }
0x48: {  	_ =	shalt  }
0x49: {  	_ =	shalt  }
0x4a: {  	_ =	shalt  }
0x4b: {  	_ =	shalt  }
0x4c: {  	_ =	shalt  }
0x4d: {  	_ =	shalt  }
0x4e: {  	_ =	shalt  }
0x4f: {  	_ =	shalt  }
0x50: {  	_ =	shalt  }
0x51: {  	_ =	shalt  }
0x52: {  	_ =	shalt  }
0x53: {  	_ =	shalt  }
0x54: {  	_ =	shalt  }
0x55: {  	_ =	shalt  }
0x56: {  	_ =	shalt  }
0x57: {  	_ =	shalt  }
0x58: {  	_ =	shalt  }
0x59: {  	_ =	shalt  }
0x5a: {  	_ =	shalt  }
0x5b: {  	_ =	shalt  }
0x5c: {  	_ =	shalt  }
0x5d: {  	_ =	shalt  }
0x5e: {  	_ =	shalt  }
0x5f: {  	_ =	shalt  }
0x60: {  	_ =	shalt  }
0x61: {  	_ =	shalt  }
0x62: {  	_ =	shalt  }
0x63: {  	_ =	shalt  }
0x64: {  	_ =	shalt  }
0x65: {  	_ =	shalt  }
0x66: {  	_ =	shalt  }
0x67: {  	_ =	shalt  }
0x68: {  	_ =	shalt  }
0x69: {  	_ =	shalt  }
0x6a: {  	_ =	shalt  }
0x6b: {  	_ =	shalt  }
0x6c: {  	_ =	shalt  }
0x6d: {  	_ =	shalt  }
0x6e: {  	_ =	shalt  }
0x6f: {  	_ =	shalt  }
0x70: {  	_ =	shalt  }
0x71: {  	_ =	shalt  }
0x72: {  	_ =	shalt  }
0x73: {  	_ =	shalt  }
0x74: {  	_ =	shalt  }
0x75: {  	_ =	shalt  }
0x76: {  	_ =	shalt  }
0x77: {  	_ =	shalt  }
0x78: {  	_ =	shalt  }
0x79: {  	_ =	shalt  }
0x7a: {  	_ =	shalt  }
0x7b: {  	_ =	shalt  }
0x7c: {  	_ =	shalt  }
0x7d: {  	_ =	shalt  }
0x7e: {  	_ =	shalt  }
0x7f: {  	_ =	shalt  }
0x80: {  	_ =	shalt  }
0x81: {  	_ =	shalt  }
0x82: {  	_ =	shalt  }
0x83: {  	_ =	shalt  }
0x84: {  	_ =	shalt  }
0x85: {  	_ =	shalt  }
0x86: {  	_ =	shalt  }
0x87: {  	_ =	shalt  }
.Lfunc_end0:
.L_simem_size_0:
called_computation.2_lowered:
.L_overlay_start_0:
0x88: {  	s2 =	sld [smem:$0x3FD9]  }
0x89: {  	s3 =	sld [smem:$0x3FFE];
	_ =	sdelay $0x1  }
0x8a: {  	s1 =	srdreg.scid  }
0x8b: {  	s0 =	sand.u32 $0x1, s1  }
0x8c: {  	s17 =	sshll.u32 s0, $0xA;
	s2 =	sadd.s32 s3, s2  }
0x8d: {  	s2 =	sadd.s32 s2, s17  }
0x8e: {  	[smem:$0x3FC5] =	sst s2  }
0x8f: {  	_ = 	snop  }
0x90: {  	s2 =	sld [smem:$0x3FD0];
	(tm) =	ssettm $0x1  }
0x91: {  	s18 =	sld [smem:$0x3FFB];
	_ =	sdelay $0x3  }
0x92: {  	_ =	strace s18  }
0x93: {  	s3 =	sld [smem:$0x3FFC];
	_ =	sdelay $0x3  }
0x94: {  	_ =	strace s3  }
0x95: {  	s3 =	sld [smem:$0x3FFD];
	_ =	sdelay $0x3  }
0x96: {  	_ =	strace s3  }
0x97: {  	_ =	strace $0x8FFFFFFF  }
0x98: {  	s19 =	sld [smem:$0x3FDB];
	_ =	sdelay $0x1  }
0x99: {  	s4 =	simm.s32 $_scs_section_size  }
0x9a: {  	s5 =	simm.s32 $_size__tile_overlayer_lowered;
	s6 =	simm.s32 $_tile_overlayer_lowered  }
0x9b: {  	s22 =	simm.s32 $0x1BFF;
	s21 =	sshll.u32 s6, $0x1;
	s3 =	sadd.s32 s4, s19  }
0x9c: {  	s7 =	simm.s32 $0x0;
	s20 =	sshll.u32 s5, $0x1;
	s5 =	sadd.s32 s21, s3  }
0x9d: {  	[timem:s7], [sflag:s22] =	dma.local [hbm:s5], s20  }
0x9e: {  	_ =	swait.ge [sflag:s22], s20  }
0x9f: {  	s4 =	ssub.s32 $0x0, s20;
	[sflag:s22] =	ssyncset.done $0x0  }
0xa0: {  	[sflag:s22] =	ssyncadd.s32 s4;
	_ =	sdelay $0x1  }
0xa1: {  	s23 =	simm.s32 $0x1B8B  }
0xa2: {  	_ =	swait.ge [sflag:s23], $0x1  }
0xa3: {  	[sflag:s23] =	ssyncset.done $0x0  }
0xa4: {  	s25 =	simm.s32 $0x1B8E;
	s24 =	sld [smem:$0x3FFE];
	[sflag:s23] =	ssyncadd.s32 $0xFFFFFFFF  }
0xa5: {  	s26 =	simm.s32 $execute0_lowered;
	[smem:$0x3FD2] =	sst s25  }
0xa6: {  	s5 =	sshll.u32 s26, $0x1;
	_ =	strace $0x80000049;
	[dreg:$0x1] =	wrdreg $0xFFFFFFFF  }
0xa7: {  	s28 =	simm.s32 $_size_execute0_lowered;
	s3 =	sadd.s32 s3, s5;
	[dreg:$0x0] =	wrdreg $0x0  }
0xa8: {  	s5 =	sshll.u32 s28, $0x1;
	[dreg:$0x2] =	wrdreg s3  }
0xa9: {  	[dreg:$0x3] =	wrdreg s5  }
0xaa: {  	[dreg:$0x4] =	wrdreg $0xC0  }
0xab: {  	_ =	task [dreg:s7], $0x5FFFF  }
0xac: {  	[dreg:$0x1] =	wrdreg $0xFFFFFFFF  }
0xad: {  	[dreg:$0x0] =	wrdreg $0x60  }
0xae: {  	[dreg:$0x2] =	wrdreg s24  }
0xaf: {  	[dreg:$0x3] =	wrdreg s2  }
0xb0: {  	[dreg:$0x4] =	wrdreg $0x9  }
0xb1: {  	_ =	task.clear_ibuf [dreg:s7], $0x5FFFF;
	_ =	strace $0x90000049  }
0xb2: {  	s29 =	simm.s32 $0x9;
	_ =	strace $0x8000004B  }
0xb3: {  	_ =	swait.ge [sflag:s29], $0x1  }
0xb4: {  	[sflag:s29] =	ssyncadd.s32 $0xFFFFFFFF  }
0xb5: {  	_ =	strace $0x9000004B  }
0xb6: {  	_ =	sfence  }
0xb7: {  	s30 =	sld [smem:$0x0];
	_ =	sdelay $0x2  }
0xb8: {  	s31 =	sshll.u32 s1, $0xD;
	s1 =	sshrl.u32 s1, $0x2  }
0xb9: {  	s3 =	sand.u32 $0x4000, s31;
	s1 =	sadd.s32 s1, s30  }
0xba: {  	s0 =	sor.u32 s3, s0;
	s1 =	sshll.u32 s1, $0x11  }
0xbb: {  	s0 =	sor.u32 s1, s0  }
0xbc: {  	s0 =	sadd.s32 $0x8F2B, s0  }
0xbd: {  	[sflag:s0] =	ssyncadd.remote.s32 $0x1  }
0xbe: {  	_ =	sfence.sel $0xFFFF  }
0xbf: {  	[dreg:$0x0] =	wrdreg $0xFFFFFFFF;
	(pc) =	sbr.abs _section_cstart, $3  }
0xc0: {  	[dreg:$0x1] =	wrdreg $0xFFFFFFFF  }
0xc1: {  	_ =	task.clear_ibuf [dreg:s7], $0x2FFFF;
	_ =	strace $0x9FFFFFFF  }
0xc2: {  	(tm) =	ssettm $0x7FFFFFFF  }
0xc3: {  	_ =	shalt  }
tec
execute0_lowered:
.L_overlay_start_1:
0x0: {  	(tag) =	ssettag $0x1  }
0x1: {  	s0 =	rddreg [dreg:$0x0];
	s1 =	srdreg.scid;
	s2 =	simm.s32 $0x0  }
0x2: {  	s4 =	stileid.u32;
	s8 =	simm.s32 $0x3;
	s7 =	simm.s32 $0x16C00  }
0x3: {  	s9 =	simm.s32 $0x18400;
	s10 =	simm.s32 $0x1;
	s11 =	simm.s32 $0x18C00  }
0x4: {  	s12 =	simm.s32 $0x2;
	s13 =	simm.s32 $0x0;
	s1 =	sand.u32 $0x1, s1  }
0x5: {  	[smem:$0x7FF] =	sst s2;
	s5 =	sshll.u32 s4, $0x1;
	s30 =	ssub.s32 $0x2, s1  }
0x6: {  	s4 =	sadd.s32 $0x1000, s0;
	_ =	strace $0x8000004A;
	s3 =	sshrl.u32 s30, $0x1  }
0x7: {  	v2 =	vlaneseq.u32;
	s1 =	sor.u32 s1, s5;
	s5 =	sadd.s32 $0x501200, s0;
	s2 =	ssub.s32 s30, s3  }
0x8: {  	vm0 =	vmmov $0xffff;
	v1 =	vshrl.u32 v2, $0x3;
	s6 =	smul.u32 $0x17, s1;
	s1 =	simm.s32 $0x17400;
	s31 =	smax.u32 s2, $0x1  }
0x9: {  	v0 =	vand.u32 $0x7, v2;
	v2 =	vor.u32 $0x8, v2;
	v1 =	vmul.u32 $0x8, v1;
	s3 =	simm.s32 $0x17C00;
	s2 =	simm.s32 $0x16400;
	[dreg:$0x9] =	wrdreg s31  }
.LBB2_1:
0xa: {  	[dreg:$0xa] =	wrdreg s13;
	s13 =	simm.s32 $0x0  }
.LBB2_2:
0xb: {  	s14 =	sadd.s32 s6, s13  }
0xc: {  	s15 =	smul.u32 $0x38, s14;
	_ =	sdelay $0x1  }
0xd: {  	s0 =	rddreg [dreg:$0x1];
	s15 =	sshrl.u32 s15, $0x3  }
0xe: {  	s16 =	sadd.s32 s0, s15;
	s15 =	simm.s32 $0x0  }
0xf: {  	[tilespmem:s15], [sflag:$0x3] =	stream.linear.gather [hbm4b:s16+s15], $0x38, $0x38;
	[tilespmem:$0x1C400] =	vst v63  }
0x10: {  	_ =	swait.ge [sflag:s8], $0x38  }
0x11: {  	[sflag:s8] =	ssyncset.done $0x0  }
0x12: {  	s21 =	simm.s32 $0x80;
	s17 =	sadd.s32 $0x1420, s16;
	[sflag:s8] =	ssyncadd.s32 $0xFFFFFFC8  }
0x13: {  	[tilespmem:s21], [sflag:$0x3] =	stream.linear.gather [hbm4b:s17+s15], $0x38, $0x38;
	[tilespmem:$0x1C400] =	vst v63  }
0x14: {  	_ =	swait.ge [sflag:s8], $0x38  }
0x15: {  	[sflag:s8] =	ssyncset.done $0x0  }
0x16: {  	s23 =	simm.s32 $0x100;
	s22 =	sadd.s32 $0x2840, s16;
	[sflag:s8] =	ssyncadd.s32 $0xFFFFFFC8  }
0x17: {  	[tilespmem:s23], [sflag:$0x3] =	stream.linear.gather [hbm4b:s22+s15], $0x38, $0x38;
	[tilespmem:$0x1C400] =	vst v63  }
0x18: {  	_ =	swait.ge [sflag:s8], $0x38  }
0x19: {  	[sflag:s8] =	ssyncset.done $0x0  }
0x1a: {  	s25 =	simm.s32 $0x180;
	s24 =	sadd.s32 $0x3C60, s16;
	[sflag:s8] =	ssyncadd.s32 $0xFFFFFFC8  }
0x1b: {  	[tilespmem:s25], [sflag:$0x3] =	stream.linear.gather [hbm4b:s24+s15], $0x38, $0x38;
	[tilespmem:$0x1C400] =	vst v63  }
0x1c: {  	_ =	swait.ge [sflag:s8], $0x38  }
0x1d: {  	[sflag:s8] =	ssyncset.done $0x0  }
0x1e: {  	s28 =	simm.s32 $0x200;
	s26 =	sadd.s32 $0x5080, s16;
	[sflag:s8] =	ssyncadd.s32 $0xFFFFFFC8  }
0x1f: {  	[tilespmem:s28], [sflag:$0x3] =	stream.linear.gather [hbm4b:s26+s15], $0x38, $0x38;
	[tilespmem:$0x1C400] =	vst v63  }
0x20: {  	_ =	swait.ge [sflag:s8], $0x38  }
0x21: {  	[sflag:s8] =	ssyncset.done $0x0  }
0x22: {  	s30 =	simm.s32 $0x280;
	s29 =	sadd.s32 $0x64A0, s16;
	[sflag:s8] =	ssyncadd.s32 $0xFFFFFFC8  }
0x23: {  	[tilespmem:s30], [sflag:$0x3] =	stream.linear.gather [hbm4b:s29+s15], $0x38, $0x38;
	[tilespmem:$0x1C400] =	vst v63  }
0x24: {  	_ =	swait.ge [sflag:s8], $0x38  }
0x25: {  	[sflag:s8] =	ssyncset.done $0x0  }
0x26: {  	s31 =	simm.s32 $0x300;
	s16 =	sadd.s32 $0x78C0, s16;
	[sflag:s8] =	ssyncadd.s32 $0xFFFFFFC8  }
0x27: {  	[tilespmem:s31], [sflag:$0x3] =	stream.linear.gather [hbm4b:s16+s15], $0x38, $0x38;
	[tilespmem:$0x1C400] =	vst v63  }
0x28: {  	_ =	swait.ge [sflag:s8], $0x38  }
0x29: {  	[sflag:s8] =	ssyncset.done $0x0  }
0x2a: {  	[sflag:s8] =	ssyncadd.s32 $0xFFFFFFC8  }
0x2b: {  	v3 =	vld [tilespmem:$0x0];
	_ =	sdelay $0x4  }
0x2c: {  	v4 =	vshll.u32 v3, $0x1  }
0x2d: {  	v3 =	vand.u32 $0x7, v3;
	v4 =	vand.u32 $0xFFFFFFF0, v4  }
0x2e: {  	v3 =	vor.u32 v3, v4  }
0x2f: {  	v4 =	vperm.xlane v3, v0;
	_ =	sdelay $0x1  }
0x30: {  	v3 =	vperm.xlane v3, v2;
	v4 =	vadd.s32 v1, v4;
	_ =	sdelay $0x1  }
0x31: {  	v3 =	vadd.s32 v1, v3;
	_ =	sdelay $0x1  }
0x32: {  	s17 =	simm.s32 $0x400  }
0x33: {  	[tilespmem:s17], [sflag:$0x1] =	stream.indirect_vreg.gather [hbm4b:s4+s15], $0x80, v4, vm0, $0xb8;
	[tilespmem:$0x1C400] =	vst v63  }
0x34: {  	s18 =	simm.s32 $0xC00  }
0x35: {  	[tilespmem:s18], [sflag:$0x1] =	stream.indirect_vreg.gather [hbm4b:s4+s15], $0x80, v3, vm0, $0xb8;
	[tilespmem:$0x1C400] =	vst v63  }
0x36: {  	v3 =	vld [tilespmem:$0x10];
	_ =	sdelay $0x4  }
0x37: {  	v37 =	vshll.u32 v3, $0x1  }
0x38: {  	v3 =	vand.u32 $0x7, v3;
	v4 =	vand.u32 $0xFFFFFFF0, v37  }
0x39: {  	v3 =	vor.u32 v3, v4  }
0x3a: {  	v4 =	vperm.xlane v3, v0;
	_ =	sdelay $0x1  }
0x3b: {  	v3 =	vperm.xlane v3, v2;
	v4 =	vadd.s32 v1, v4;
	_ =	sdelay $0x1  }
0x3c: {  	v3 =	vadd.s32 v1, v3;
	_ =	sdelay $0x1  }
0x3d: {  	s19 =	simm.s32 $0x1400  }
0x3e: {  	[tilespmem:s19], [sflag:$0x1] =	stream.indirect_vreg.gather [hbm4b:s4+s15], $0x80, v4, vm0, $0xb8;
	[tilespmem:$0x1C400] =	vst v63  }
0x3f: {  	s20 =	simm.s32 $0x1C00  }
0x40: {  	[tilespmem:s20], [sflag:$0x1] =	stream.indirect_vreg.gather [hbm4b:s4+s15], $0x80, v3, vm0, $0xb8;
	[tilespmem:$0x1C400] =	vst v63  }
0x41: {  	v3 =	vld [tilespmem:$0x20];
	_ =	sdelay $0x4  }
0x42: {  	v38 =	vshll.u32 v3, $0x1  }
0x43: {  	v3 =	vand.u32 $0x7, v3;
	v4 =	vand.u32 $0xFFFFFFF0, v38  }
0x44: {  	v3 =	vor.u32 v3, v4  }
0x45: {  	v4 =	vperm.xlane v3, v0;
	_ =	sdelay $0x1  }
0x46: {  	v3 =	vperm.xlane v3, v2;
	v4 =	vadd.s32 v1, v4;
	_ =	sdelay $0x1  }
0x47: {  	v3 =	vadd.s32 v1, v3;
	_ =	sdelay $0x1  }
0x48: {  	s21 =	simm.s32 $0x2400  }
0x49: {  	[tilespmem:s21], [sflag:$0x1] =	stream.indirect_vreg.gather [hbm4b:s4+s15], $0x80, v4, vm0, $0xb8;
	[tilespmem:$0x1C400] =	vst v63  }
0x4a: {  	s22 =	simm.s32 $0x2C00  }
0x4b: {  	[tilespmem:s22], [sflag:$0x1] =	stream.indirect_vreg.gather [hbm4b:s4+s15], $0x80, v3, vm0, $0xb8;
	[tilespmem:$0x1C400] =	vst v63  }
0x4c: {  	v3 =	vld.msk [tilespmem:$0x30], $0xff;
	_ =	sdelay $0x4  }
0x4d: {  	v39 =	vshll.u32 v3, $0x1  }
0x4e: {  	v3 =	vand.u32 $0x7, v3;
	v4 =	vand.u32 $0xFFFFFFF0, v39  }
0x4f: {  	v3 =	vor.u32 v3, v4  }
0x50: {  	v3 =	vperm.xlane v3, v0;
	_ =	sdelay $0x1  }
0x51: {  	v3 =	vadd.s32 v1, v3;
	_ =	sdelay $0x3  }
0x52: {  	s23 =	simm.s32 $0x3400  }
0x53: {  	[tilespmem:s23], [sflag:$0x1] =	stream.indirect_vreg.gather [hbm4b:s4+s15], $0x80, v3, vm0, $0xb8;
	[tilespmem:$0x1C400] =	vst v63  }
0x54: {  	v3 =	vld [tilespmem:$0x80];
	_ =	sdelay $0x4  }
0x55: {  	v40 =	vshll.u32 v3, $0x1  }
0x56: {  	v3 =	vand.u32 $0x7, v3;
	v4 =	vand.u32 $0xFFFFFFF0, v40  }
0x57: {  	v3 =	vor.u32 v3, v4  }
0x58: {  	v4 =	vperm.xlane v3, v0;
	_ =	sdelay $0x1  }
0x59: {  	v3 =	vperm.xlane v3, v2;
	v4 =	vadd.s32 v1, v4;
	_ =	sdelay $0x1  }
0x5a: {  	v3 =	vadd.s32 v1, v3;
	_ =	sdelay $0x1  }
0x5b: {  	s24 =	simm.s32 $0x3C00  }
0x5c: {  	[tilespmem:s24], [sflag:$0x1] =	stream.indirect_vreg.gather [hbm4b:s4+s15], $0x80, v4, vm0, $0xb8;
	[tilespmem:$0x1C400] =	vst v63  }
0x5d: {  	s25 =	simm.s32 $0x4400  }
0x5e: {  	[tilespmem:s25], [sflag:$0x1] =	stream.indirect_vreg.gather [hbm4b:s4+s15], $0x80, v3, vm0, $0xb8;
	[tilespmem:$0x1C400] =	vst v63  }
0x5f: {  	v3 =	vld [tilespmem:$0x90];
	_ =	sdelay $0x4  }
0x60: {  	v41 =	vshll.u32 v3, $0x1  }
0x61: {  	v3 =	vand.u32 $0x7, v3;
	v4 =	vand.u32 $0xFFFFFFF0, v41  }
0x62: {  	v3 =	vor.u32 v3, v4  }
0x63: {  	v4 =	vperm.xlane v3, v0;
	_ =	sdelay $0x1  }
0x64: {  	v3 =	vperm.xlane v3, v2;
	v4 =	vadd.s32 v1, v4;
	_ =	sdelay $0x1  }
0x65: {  	v3 =	vadd.s32 v1, v3;
	_ =	sdelay $0x1  }
0x66: {  	s26 =	simm.s32 $0x4C00  }
0x67: {  	[tilespmem:s26], [sflag:$0x1] =	stream.indirect_vreg.gather [hbm4b:s4+s15], $0x80, v4, vm0, $0xb8;
	[tilespmem:$0x1C400] =	vst v63  }
0x68: {  	s28 =	simm.s32 $0x5400  }
0x69: {  	[tilespmem:s28], [sflag:$0x1] =	stream.indirect_vreg.gather [hbm4b:s4+s15], $0x80, v3, vm0, $0xb8;
	[tilespmem:$0x1C400] =	vst v63  }
0x6a: {  	v3 =	vld [tilespmem:$0xA0];
	_ =	sdelay $0x4  }
0x6b: {  	v42 =	vshll.u32 v3, $0x1  }
0x6c: {  	v3 =	vand.u32 $0x7, v3;
	v4 =	vand.u32 $0xFFFFFFF0, v42  }
0x6d: {  	v3 =	vor.u32 v3, v4  }
0x6e: {  	v4 =	vperm.xlane v3, v0;
	_ =	sdelay $0x1  }
0x6f: {  	v3 =	vperm.xlane v3, v2;
	v4 =	vadd.s32 v1, v4;
	_ =	sdelay $0x1  }
0x70: {  	v3 =	vadd.s32 v1, v3;
	_ =	sdelay $0x1  }
0x71: {  	s29 =	simm.s32 $0x5C00  }
0x72: {  	[tilespmem:s29], [sflag:$0x1] =	stream.indirect_vreg.gather [hbm4b:s4+s15], $0x80, v4, vm0, $0xb8;
	[tilespmem:$0x1C400] =	vst v63  }
0x73: {  	s30 =	simm.s32 $0x6400  }
0x74: {  	[tilespmem:s30], [sflag:$0x1] =	stream.indirect_vreg.gather [hbm4b:s4+s15], $0x80, v3, vm0, $0xb8;
	[tilespmem:$0x1C400] =	vst v63  }
0x75: {  	v3 =	vld.msk [tilespmem:$0xB0], $0xff;
	_ =	sdelay $0x4  }
0x76: {  	v43 =	vshll.u32 v3, $0x1  }
0x77: {  	v3 =	vand.u32 $0x7, v3;
	v4 =	vand.u32 $0xFFFFFFF0, v43  }
0x78: {  	v3 =	vor.u32 v3, v4  }
0x79: {  	v3 =	vperm.xlane v3, v0;
	_ =	sdelay $0x1  }
0x7a: {  	v3 =	vadd.s32 v1, v3;
	_ =	sdelay $0x3  }
0x7b: {  	s31 =	simm.s32 $0x6C00  }
0x7c: {  	[tilespmem:s31], [sflag:$0x1] =	stream.indirect_vreg.gather [hbm4b:s4+s15], $0x80, v3, vm0, $0xb8;
	[tilespmem:$0x1C400] =	vst v63  }
0x7d: {  	v3 =	vld [tilespmem:$0x100];
	_ =	sdelay $0x4  }
0x7e: {  	v44 =	vshll.u32 v3, $0x1  }
0x7f: {  	v3 =	vand.u32 $0x7, v3;
	v4 =	vand.u32 $0xFFFFFFF0, v44  }
0x80: {  	v3 =	vor.u32 v3, v4  }
0x81: {  	v4 =	vperm.xlane v3, v0;
	_ =	sdelay $0x1  }
0x82: {  	v3 =	vperm.xlane v3, v2;
	v4 =	vadd.s32 v1, v4;
	_ =	sdelay $0x1  }
0x83: {  	v3 =	vadd.s32 v1, v3;
	_ =	sdelay $0x1  }
0x84: {  	s16 =	simm.s32 $0x7400  }
0x85: {  	[tilespmem:s16], [sflag:$0x1] =	stream.indirect_vreg.gather [hbm4b:s4+s15], $0x80, v4, vm0, $0xb8;
	[tilespmem:$0x1C400] =	vst v63  }
0x86: {  	s17 =	simm.s32 $0x7C00  }
0x87: {  	[tilespmem:s17], [sflag:$0x1] =	stream.indirect_vreg.gather [hbm4b:s4+s15], $0x80, v3, vm0, $0xb8;
	[tilespmem:$0x1C400] =	vst v63  }
0x88: {  	v3 =	vld [tilespmem:$0x110];
	_ =	sdelay $0x4  }
0x89: {  	v45 =	vshll.u32 v3, $0x1  }
0x8a: {  	v3 =	vand.u32 $0x7, v3;
	v4 =	vand.u32 $0xFFFFFFF0, v45  }
0x8b: {  	v3 =	vor.u32 v3, v4  }
0x8c: {  	v4 =	vperm.xlane v3, v0;
	_ =	sdelay $0x1  }
0x8d: {  	v3 =	vperm.xlane v3, v2;
	v4 =	vadd.s32 v1, v4;
	_ =	sdelay $0x1  }
0x8e: {  	v3 =	vadd.s32 v1, v3;
	_ =	sdelay $0x1  }
0x8f: {  	s18 =	simm.s32 $0x8400  }
0x90: {  	[tilespmem:s18], [sflag:$0x1] =	stream.indirect_vreg.gather [hbm4b:s4+s15], $0x80, v4, vm0, $0xb8;
	[tilespmem:$0x1C400] =	vst v63  }
0x91: {  	s19 =	simm.s32 $0x8C00  }
0x92: {  	[tilespmem:s19], [sflag:$0x1] =	stream.indirect_vreg.gather [hbm4b:s4+s15], $0x80, v3, vm0, $0xb8;
	[tilespmem:$0x1C400] =	vst v63  }
0x93: {  	v3 =	vld [tilespmem:$0x120];
	_ =	sdelay $0x4  }
0x94: {  	v46 =	vshll.u32 v3, $0x1  }
0x95: {  	v3 =	vand.u32 $0x7, v3;
	v4 =	vand.u32 $0xFFFFFFF0, v46  }
0x96: {  	v3 =	vor.u32 v3, v4  }
0x97: {  	v4 =	vperm.xlane v3, v0;
	_ =	sdelay $0x1  }
0x98: {  	v3 =	vperm.xlane v3, v2;
	v4 =	vadd.s32 v1, v4;
	_ =	sdelay $0x1  }
0x99: {  	v3 =	vadd.s32 v1, v3;
	_ =	sdelay $0x1  }
0x9a: {  	s20 =	simm.s32 $0x9400  }
0x9b: {  	[tilespmem:s20], [sflag:$0x1] =	stream.indirect_vreg.gather [hbm4b:s4+s15], $0x80, v4, vm0, $0xb8;
	[tilespmem:$0x1C400] =	vst v63  }
0x9c: {  	s21 =	simm.s32 $0x9C00  }
0x9d: {  	[tilespmem:s21], [sflag:$0x1] =	stream.indirect_vreg.gather [hbm4b:s4+s15], $0x80, v3, vm0, $0xb8;
	[tilespmem:$0x1C400] =	vst v63  }
0x9e: {  	v3 =	vld.msk [tilespmem:$0x130], $0xff;
	_ =	sdelay $0x4  }
0x9f: {  	v47 =	vshll.u32 v3, $0x1  }
0xa0: {  	v3 =	vand.u32 $0x7, v3;
	v4 =	vand.u32 $0xFFFFFFF0, v47  }
0xa1: {  	v3 =	vor.u32 v3, v4  }
0xa2: {  	v3 =	vperm.xlane v3, v0;
	_ =	sdelay $0x1  }
0xa3: {  	v3 =	vadd.s32 v1, v3;
	_ =	sdelay $0x3  }
0xa4: {  	s22 =	simm.s32 $0xA400  }
0xa5: {  	[tilespmem:s22], [sflag:$0x1] =	stream.indirect_vreg.gather [hbm4b:s4+s15], $0x80, v3, vm0, $0xb8;
	[tilespmem:$0x1C400] =	vst v63  }
0xa6: {  	v3 =	vld [tilespmem:$0x180];
	_ =	sdelay $0x4  }
0xa7: {  	v48 =	vshll.u32 v3, $0x1  }
0xa8: {  	v3 =	vand.u32 $0x7, v3;
	v4 =	vand.u32 $0xFFFFFFF0, v48  }
0xa9: {  	v3 =	vor.u32 v3, v4  }
0xaa: {  	v4 =	vperm.xlane v3, v0;
	_ =	sdelay $0x1  }
0xab: {  	v3 =	vperm.xlane v3, v2;
	v4 =	vadd.s32 v1, v4;
	_ =	sdelay $0x1  }
0xac: {  	v3 =	vadd.s32 v1, v3;
	_ =	sdelay $0x1  }
0xad: {  	s23 =	simm.s32 $0xAC00  }
0xae: {  	[tilespmem:s23], [sflag:$0x1] =	stream.indirect_vreg.gather [hbm4b:s4+s15], $0x80, v4, vm0, $0xb8;
	[tilespmem:$0x1C400] =	vst v63  }
0xaf: {  	s24 =	simm.s32 $0xB400  }
0xb0: {  	[tilespmem:s24], [sflag:$0x1] =	stream.indirect_vreg.gather [hbm4b:s4+s15], $0x80, v3, vm0, $0xb8;
	[tilespmem:$0x1C400] =	vst v63  }
0xb1: {  	v3 =	vld [tilespmem:$0x190];
	_ =	sdelay $0x4  }
0xb2: {  	v49 =	vshll.u32 v3, $0x1  }
0xb3: {  	v3 =	vand.u32 $0x7, v3;
	v4 =	vand.u32 $0xFFFFFFF0, v49  }
0xb4: {  	v3 =	vor.u32 v3, v4  }
0xb5: {  	v4 =	vperm.xlane v3, v0;
	_ =	sdelay $0x1  }
0xb6: {  	v3 =	vperm.xlane v3, v2;
	v4 =	vadd.s32 v1, v4;
	_ =	sdelay $0x1  }
0xb7: {  	v3 =	vadd.s32 v1, v3;
	_ =	sdelay $0x1  }
0xb8: {  	s25 =	simm.s32 $0xBC00  }
0xb9: {  	[tilespmem:s25], [sflag:$0x1] =	stream.indirect_vreg.gather [hbm4b:s4+s15], $0x80, v4, vm0, $0xb8;
	[tilespmem:$0x1C400] =	vst v63  }
0xba: {  	s26 =	simm.s32 $0xC400  }
0xbb: {  	[tilespmem:s26], [sflag:$0x1] =	stream.indirect_vreg.gather [hbm4b:s4+s15], $0x80, v3, vm0, $0xb8;
	[tilespmem:$0x1C400] =	vst v63  }
0xbc: {  	v3 =	vld [tilespmem:$0x1A0];
	_ =	sdelay $0x4  }
0xbd: {  	v50 =	vshll.u32 v3, $0x1  }
0xbe: {  	v3 =	vand.u32 $0x7, v3;
	v4 =	vand.u32 $0xFFFFFFF0, v50  }
0xbf: {  	v3 =	vor.u32 v3, v4  }
0xc0: {  	v4 =	vperm.xlane v3, v0;
	_ =	sdelay $0x1  }
0xc1: {  	v3 =	vperm.xlane v3, v2;
	v4 =	vadd.s32 v1, v4;
	_ =	sdelay $0x1  }
0xc2: {  	v3 =	vadd.s32 v1, v3;
	_ =	sdelay $0x1  }
0xc3: {  	s28 =	simm.s32 $0xCC00  }
0xc4: {  	[tilespmem:s28], [sflag:$0x1] =	stream.indirect_vreg.gather [hbm4b:s4+s15], $0x80, v4, vm0, $0xb8;
	[tilespmem:$0x1C400] =	vst v63  }
0xc5: {  	s29 =	simm.s32 $0xD400  }
0xc6: {  	[tilespmem:s29], [sflag:$0x1] =	stream.indirect_vreg.gather [hbm4b:s4+s15], $0x80, v3, vm0, $0xb8;
	[tilespmem:$0x1C400] =	vst v63  }
0xc7: {  	v3 =	vld.msk [tilespmem:$0x1B0], $0xff;
	_ =	sdelay $0x4  }
0xc8: {  	v51 =	vshll.u32 v3, $0x1  }
0xc9: {  	v3 =	vand.u32 $0x7, v3;
	v4 =	vand.u32 $0xFFFFFFF0, v51  }
0xca: {  	v3 =	vor.u32 v3, v4  }
0xcb: {  	v3 =	vperm.xlane v3, v0;
	_ =	sdelay $0x1  }
0xcc: {  	v3 =	vadd.s32 v1, v3;
	_ =	sdelay $0x3  }
0xcd: {  	s30 =	simm.s32 $0xDC00  }
0xce: {  	[tilespmem:s30], [sflag:$0x1] =	stream.indirect_vreg.gather [hbm4b:s4+s15], $0x80, v3, vm0, $0xb8;
	[tilespmem:$0x1C400] =	vst v63  }
0xcf: {  	v3 =	vld [tilespmem:$0x200];
	_ =	sdelay $0x4  }
0xd0: {  	v52 =	vshll.u32 v3, $0x1  }
0xd1: {  	v3 =	vand.u32 $0x7, v3;
	v4 =	vand.u32 $0xFFFFFFF0, v52  }
0xd2: {  	v3 =	vor.u32 v3, v4  }
0xd3: {  	v4 =	vperm.xlane v3, v0;
	_ =	sdelay $0x1  }
0xd4: {  	v3 =	vperm.xlane v3, v2;
	v4 =	vadd.s32 v1, v4;
	_ =	sdelay $0x1  }
0xd5: {  	v3 =	vadd.s32 v1, v3;
	_ =	sdelay $0x1  }
0xd6: {  	s31 =	simm.s32 $0xE400  }
0xd7: {  	[tilespmem:s31], [sflag:$0x1] =	stream.indirect_vreg.gather [hbm4b:s4+s15], $0x80, v4, vm0, $0xb8;
	[tilespmem:$0x1C400] =	vst v63  }
0xd8: {  	s16 =	simm.s32 $0xEC00  }
0xd9: {  	[tilespmem:s16], [sflag:$0x1] =	stream.indirect_vreg.gather [hbm4b:s4+s15], $0x80, v3, vm0, $0xb8;
	[tilespmem:$0x1C400] =	vst v63  }
0xda: {  	v3 =	vld [tilespmem:$0x210];
	_ =	sdelay $0x4  }
0xdb: {  	v53 =	vshll.u32 v3, $0x1  }
0xdc: {  	v3 =	vand.u32 $0x7, v3;
	v4 =	vand.u32 $0xFFFFFFF0, v53  }
0xdd: {  	v3 =	vor.u32 v3, v4  }
0xde: {  	v4 =	vperm.xlane v3, v0;
	_ =	sdelay $0x1  }
0xdf: {  	v3 =	vperm.xlane v3, v2;
	v4 =	vadd.s32 v1, v4;
	_ =	sdelay $0x1  }
0xe0: {  	v3 =	vadd.s32 v1, v3;
	_ =	sdelay $0x1  }
0xe1: {  	s17 =	simm.s32 $0xF400  }
0xe2: {  	[tilespmem:s17], [sflag:$0x1] =	stream.indirect_vreg.gather [hbm4b:s4+s15], $0x80, v4, vm0, $0xb8;
	[tilespmem:$0x1C400] =	vst v63  }
0xe3: {  	s18 =	simm.s32 $0xFC00  }
0xe4: {  	[tilespmem:s18], [sflag:$0x1] =	stream.indirect_vreg.gather [hbm4b:s4+s15], $0x80, v3, vm0, $0xb8;
	[tilespmem:$0x1C400] =	vst v63  }
0xe5: {  	v3 =	vld [tilespmem:$0x220];
	_ =	sdelay $0x4  }
0xe6: {  	v54 =	vshll.u32 v3, $0x1  }
0xe7: {  	v3 =	vand.u32 $0x7, v3;
	v4 =	vand.u32 $0xFFFFFFF0, v54  }
0xe8: {  	v3 =	vor.u32 v3, v4  }
0xe9: {  	v4 =	vperm.xlane v3, v0;
	_ =	sdelay $0x1  }
0xea: {  	v3 =	vperm.xlane v3, v2;
	v4 =	vadd.s32 v1, v4;
	_ =	sdelay $0x1  }
0xeb: {  	v3 =	vadd.s32 v1, v3;
	_ =	sdelay $0x1  }
0xec: {  	s19 =	simm.s32 $0x10400  }
0xed: {  	[tilespmem:s19], [sflag:$0x1] =	stream.indirect_vreg.gather [hbm4b:s4+s15], $0x80, v4, vm0, $0xb8;
	[tilespmem:$0x1C400] =	vst v63  }
0xee: {  	s20 =	simm.s32 $0x10C00  }
0xef: {  	[tilespmem:s20], [sflag:$0x1] =	stream.indirect_vreg.gather [hbm4b:s4+s15], $0x80, v3, vm0, $0xb8;
	[tilespmem:$0x1C400] =	vst v63  }
0xf0: {  	v3 =	vld.msk [tilespmem:$0x230], $0xff;
	_ =	sdelay $0x4  }
0xf1: {  	v55 =	vshll.u32 v3, $0x1  }
0xf2: {  	v3 =	vand.u32 $0x7, v3;
	v4 =	vand.u32 $0xFFFFFFF0, v55  }
0xf3: {  	v3 =	vor.u32 v3, v4  }
0xf4: {  	v3 =	vperm.xlane v3, v0;
	_ =	sdelay $0x1  }
0xf5: {  	v3 =	vadd.s32 v1, v3;
	_ =	sdelay $0x3  }
0xf6: {  	s21 =	simm.s32 $0x11400  }
0xf7: {  	[tilespmem:s21], [sflag:$0x1] =	stream.indirect_vreg.gather [hbm4b:s4+s15], $0x80, v3, vm0, $0xb8;
	[tilespmem:$0x1C400] =	vst v63  }
0xf8: {  	v3 =	vld [tilespmem:$0x280];
	_ =	sdelay $0x4  }
0xf9: {  	v56 =	vshll.u32 v3, $0x1  }
0xfa: {  	v3 =	vand.u32 $0x7, v3;
	v4 =	vand.u32 $0xFFFFFFF0, v56  }
0xfb: {  	v3 =	vor.u32 v3, v4  }
0xfc: {  	v4 =	vperm.xlane v3, v0;
	_ =	sdelay $0x1  }
0xfd: {  	v3 =	vperm.xlane v3, v2;
	v4 =	vadd.s32 v1, v4;
	_ =	sdelay $0x1  }
0xfe: {  	v3 =	vadd.s32 v1, v3;
	_ =	sdelay $0x1  }
0xff: {  	s22 =	simm.s32 $0x11C00  }
0x100: {  	[tilespmem:s22], [sflag:$0x1] =	stream.indirect_vreg.gather [hbm4b:s4+s15], $0x80, v4, vm0, $0xb8;
	[tilespmem:$0x1C400] =	vst v63  }
0x101: {  	s23 =	simm.s32 $0x12400  }
0x102: {  	[tilespmem:s23], [sflag:$0x1] =	stream.indirect_vreg.gather [hbm4b:s4+s15], $0x80, v3, vm0, $0xb8;
	[tilespmem:$0x1C400] =	vst v63  }
0x103: {  	v3 =	vld [tilespmem:$0x290];
	_ =	sdelay $0x4  }
0x104: {  	v57 =	vshll.u32 v3, $0x1  }
0x105: {  	v3 =	vand.u32 $0x7, v3;
	v4 =	vand.u32 $0xFFFFFFF0, v57  }
0x106: {  	v3 =	vor.u32 v3, v4  }
0x107: {  	v4 =	vperm.xlane v3, v0;
	_ =	sdelay $0x1  }
0x108: {  	v3 =	vperm.xlane v3, v2;
	v4 =	vadd.s32 v1, v4;
	_ =	sdelay $0x1  }
0x109: {  	v3 =	vadd.s32 v1, v3;
	_ =	sdelay $0x1  }
0x10a: {  	s24 =	simm.s32 $0x12C00  }
0x10b: {  	[tilespmem:s24], [sflag:$0x1] =	stream.indirect_vreg.gather [hbm4b:s4+s15], $0x80, v4, vm0, $0xb8;
	[tilespmem:$0x1C400] =	vst v63  }
0x10c: {  	s25 =	simm.s32 $0x13400  }
0x10d: {  	[tilespmem:s25], [sflag:$0x1] =	stream.indirect_vreg.gather [hbm4b:s4+s15], $0x80, v3, vm0, $0xb8;
	[tilespmem:$0x1C400] =	vst v63  }
0x10e: {  	v3 =	vld [tilespmem:$0x2A0];
	_ =	sdelay $0x4  }
0x10f: {  	v58 =	vshll.u32 v3, $0x1  }
0x110: {  	v3 =	vand.u32 $0x7, v3;
	v4 =	vand.u32 $0xFFFFFFF0, v58  }
0x111: {  	v3 =	vor.u32 v3, v4  }
0x112: {  	v4 =	vperm.xlane v3, v0;
	_ =	sdelay $0x1  }
0x113: {  	v3 =	vperm.xlane v3, v2;
	v4 =	vadd.s32 v1, v4;
	_ =	sdelay $0x1  }
0x114: {  	v3 =	vadd.s32 v1, v3;
	_ =	sdelay $0x1  }
0x115: {  	s26 =	simm.s32 $0x13C00  }
0x116: {  	[tilespmem:s26], [sflag:$0x1] =	stream.indirect_vreg.gather [hbm4b:s4+s15], $0x80, v4, vm0, $0xb8;
	[tilespmem:$0x1C400] =	vst v63  }
0x117: {  	s28 =	simm.s32 $0x14400  }
0x118: {  	[tilespmem:s28], [sflag:$0x1] =	stream.indirect_vreg.gather [hbm4b:s4+s15], $0x80, v3, vm0, $0xb8;
	[tilespmem:$0x1C400] =	vst v63  }
0x119: {  	v3 =	vld.msk [tilespmem:$0x2B0], $0xff;
	_ =	sdelay $0x4  }
0x11a: {  	v59 =	vshll.u32 v3, $0x1  }
0x11b: {  	v3 =	vand.u32 $0x7, v3;
	v4 =	vand.u32 $0xFFFFFFF0, v59  }
0x11c: {  	v3 =	vor.u32 v3, v4  }
0x11d: {  	v3 =	vperm.xlane v3, v0;
	_ =	sdelay $0x1  }
0x11e: {  	v3 =	vadd.s32 v1, v3;
	_ =	sdelay $0x3  }
0x11f: {  	s29 =	simm.s32 $0x14C00  }
0x120: {  	[tilespmem:s29], [sflag:$0x1] =	stream.indirect_vreg.gather [hbm4b:s4+s15], $0x80, v3, vm0, $0xb8;
	[tilespmem:$0x1C400] =	vst v63  }
0x121: {  	v3 =	vld [tilespmem:$0x300];
	_ =	sdelay $0x4  }
0x122: {  	v60 =	vshll.u32 v3, $0x1  }
0x123: {  	v3 =	vand.u32 $0x7, v3;
	v4 =	vand.u32 $0xFFFFFFF0, v60  }
0x124: {  	v3 =	vor.u32 v3, v4  }
0x125: {  	v4 =	vperm.xlane v3, v0;
	_ =	sdelay $0x1  }
0x126: {  	v3 =	vperm.xlane v3, v2;
	v4 =	vadd.s32 v1, v4;
	_ =	sdelay $0x1  }
0x127: {  	v3 =	vadd.s32 v1, v3;
	_ =	sdelay $0x1  }
0x128: {  	s30 =	simm.s32 $0x15400  }
0x129: {  	[tilespmem:s30], [sflag:$0x1] =	stream.indirect_vreg.gather [hbm4b:s4+s15], $0x80, v4, vm0, $0xb8;
	[tilespmem:$0x1C400] =	vst v63  }
0x12a: {  	s31 =	simm.s32 $0x15C00  }
0x12b: {  	[tilespmem:s31], [sflag:$0x1] =	stream.indirect_vreg.gather [hbm4b:s4+s15], $0x80, v3, vm0, $0xb8;
	[tilespmem:$0x1C400] =	vst v63  }
0x12c: {  	v3 =	vld [tilespmem:$0x310];
	_ =	sdelay $0x4  }
0x12d: {  	v61 =	vshll.u32 v3, $0x1  }
0x12e: {  	v3 =	vand.u32 $0x7, v3;
	v4 =	vand.u32 $0xFFFFFFF0, v61  }
0x12f: {  	v3 =	vor.u32 v3, v4  }
0x130: {  	v4 =	vperm.xlane v3, v0;
	_ =	sdelay $0x1  }
0x131: {  	v3 =	vperm.xlane v3, v2;
	v4 =	vadd.s32 v1, v4;
	_ =	sdelay $0x1  }
0x132: {  	v3 =	vadd.s32 v1, v3;
	_ =	sdelay $0x2  }
0x133: {  	[tilespmem:s2], [sflag:$0x1] =	stream.indirect_vreg.gather [hbm4b:s4+s15], $0x80, v4, vm0, $0xb8;
	[tilespmem:$0x1C400] =	vst v63  }
0x134: {  	_ = 	snop  }
0x135: {  	[tilespmem:s7], [sflag:$0x1] =	stream.indirect_vreg.gather [hbm4b:s4+s15], $0x80, v3, vm0, $0xb8;
	[tilespmem:$0x1C400] =	vst v63  }
0x136: {  	v3 =	vld [tilespmem:$0x320];
	_ =	sdelay $0x4  }
0x137: {  	v62 =	vshll.u32 v3, $0x1  }
0x138: {  	v3 =	vand.u32 $0x7, v3;
	v4 =	vand.u32 $0xFFFFFFF0, v62  }
0x139: {  	v3 =	vor.u32 v3, v4  }
0x13a: {  	v4 =	vperm.xlane v3, v0;
	_ =	sdelay $0x1  }
0x13b: {  	v3 =	vperm.xlane v3, v2;
	v4 =	vadd.s32 v1, v4;
	_ =	sdelay $0x1  }
0x13c: {  	v3 =	vadd.s32 v1, v3;
	_ =	sdelay $0x2  }
0x13d: {  	[tilespmem:s1], [sflag:$0x1] =	stream.indirect_vreg.gather [hbm4b:s4+s15], $0x80, v4, vm0, $0xb8;
	[tilespmem:$0x1C400] =	vst v63  }
0x13e: {  	_ = 	snop  }
0x13f: {  	[tilespmem:s3], [sflag:$0x1] =	stream.indirect_vreg.gather [hbm4b:s4+s15], $0x80, v3, vm0, $0xb8;
	[tilespmem:$0x1C400] =	vst v63  }
0x140: {  	v3 =	vld.msk [tilespmem:$0x330], $0xff;
	_ =	sdelay $0x4  }
0x141: {  	v63 =	vshll.u32 v3, $0x1  }
0x142: {  	v3 =	vand.u32 $0x7, v3;
	v4 =	vand.u32 $0xFFFFFFF0, v63  }
0x143: {  	v3 =	vor.u32 v3, v4  }
0x144: {  	v3 =	vperm.xlane v3, v0;
	_ =	sdelay $0x1  }
0x145: {  	v3 =	vadd.s32 v1, v3;
	_ =	sdelay $0x4  }
0x146: {  	[tilespmem:s9], [sflag:$0x1] =	stream.indirect_vreg.gather [hbm4b:s4+s15], $0x80, v3, vm0, $0xb8;
	[tilespmem:$0x1C400] =	vst v63  }
0x147: {  	_ =	swait.ge [sflag:s10], $0x3800  }
0x148: {  	[sflag:s10] =	ssyncset.done $0x0  }
0x149: {  	[sflag:s10] =	ssyncadd.s32 $0xFFFFC800  }
0x14a: {  	_ =	swait.ge [sflag:s10], $0x3800  }
0x14b: {  	[sflag:s10] =	ssyncset.done $0x0  }
0x14c: {  	[sflag:s10] =	ssyncadd.s32 $0xFFFFC800  }
0x14d: {  	_ =	swait.ge [sflag:s10], $0x3800  }
0x14e: {  	[sflag:s10] =	ssyncset.done $0x0  }
0x14f: {  	[sflag:s10] =	ssyncadd.s32 $0xFFFFC800  }
0x150: {  	_ =	swait.ge [sflag:s10], $0x3800  }
0x151: {  	[sflag:s10] =	ssyncset.done $0x0  }
0x152: {  	[sflag:s10] =	ssyncadd.s32 $0xFFFFC800  }
0x153: {  	_ =	swait.ge [sflag:s10], $0x3800  }
0x154: {  	[sflag:s10] =	ssyncset.done $0x0  }
0x155: {  	[sflag:s10] =	ssyncadd.s32 $0xFFFFC800  }
0x156: {  	_ =	swait.ge [sflag:s10], $0x3800  }
0x157: {  	[sflag:s10] =	ssyncset.done $0x0  }
0x158: {  	[sflag:s10] =	ssyncadd.s32 $0xFFFFC800  }
0x159: {  	_ =	swait.ge [sflag:s10], $0x3800  }
0x15a: {  	[sflag:s10] =	ssyncset.done $0x0  }
0x15b: {  	s16 =	simm.s32 $0x0;
	[sflag:s10] =	ssyncadd.s32 $0xFFFFC800  }
.LBB2_3:
0x15c: {  	s17 =	sshll.u32 s16, $0x8;
	s18 =	sshll.u32 s16, $0x7  }
0x15d: {  	s17 =	sand.u32 $0x3800, s17;
	s18 =	sand.u32 $0x380, s18  }
0x15e: {  	s17 =	sor.u32 s17, s18  }
0x15f: {  	s18 =	sadd.s32 $0x3C00, s17  }
0x160: {  	s19 =	sadd.s32 $0x7400, s17;
	[dreg:$0x3] =	wrdreg s18  }
0x161: {  	s20 =	sadd.s32 $0xAC00, s17;
	[dreg:$0x4] =	wrdreg s19  }
0x162: {  	s23 =	sand.u32 $0x400, s15;
	[dreg:$0x5] =	wrdreg s20  }
0x163: {  	s19 =	sand.u32 $0x40, s15;
	s20 =	sor.u32 s23, s17;
	s18 =	rddreg [dreg:$0x3]  }
0x164: {  	s26 =	sor.u32 s19, s20;
	s18 =	sadd.s32 s23, s18  }
0x165: {  	s21 =	rddreg [dreg:$0x4];
	v4 =	vld [tilespmem:s26+$0x400];
	s22 =	sadd.s32 s19, s18  }
0x166: {  	s21 =	sadd.s32 s23, s21;
	v3 =	vld [tilespmem:s22+$0x0]  }
0x167: {  	s24 =	sadd.s32 $0xE400, s17;
	s31 =	rddreg [dreg:$0x5];
	s25 =	sadd.s32 s19, s21  }
0x168: {  	[dreg:$0x6] =	wrdreg s24;
	v5 =	vld [tilespmem:s25+$0x0];
	s22 =	sadd.s32 s23, s31  }
0x169: {  	s0 =	sadd.s32 $0x11C00, s17;
	s28 =	rddreg [dreg:$0x6];
	s29 =	sadd.s32 s19, s22  }
0x16a: {  	[dreg:$0x7] =	wrdreg s0;
	s24 =	sadd.s32 s23, s28;
	v6 =	vld [tilespmem:s29+$0x0]  }
0x16b: {  	s0 =	sadd.s32 s19, s24;
	s25 =	sadd.s32 $0x15400, s17;
	s31 =	rddreg [dreg:$0x7];
	v3 =	vadd.f32 v3, v4  }
0x16c: {  	[dreg:$0x8] =	wrdreg s25;
	s25 =	sadd.s32 s23, s31;
	v4 =	vld [tilespmem:s0+$0x0]  }
0x16d: {  	s28 =	rddreg [dreg:$0x8];
	s31 =	sadd.s32 s19, s25;
	v3 =	vadd.f32 v5, v3  }
0x16e: {  	s23 =	sadd.s32 s23, s28;
	v5 =	vld [tilespmem:s31+$0x0]  }
0x16f: {  	s28 =	sadd.s32 s19, s23;
	v3 =	vadd.f32 v6, v3  }
0x170: {  	v6 =	vld [tilespmem:s28+$0x0]  }
0x171: {  	v3 =	vadd.f32 v4, v3;
	_ =	sdelay $0x1  }
0x172: {  	v3 =	vadd.f32 v5, v3;
	_ =	sdelay $0x1  }
0x173: {  	v3 =	vadd.f32 v6, v3;
	_ =	sdelay $0x1  }
0x174: {  	v3 =	vmul.f32 $1.428571490e-01, v3  }
0x175: {  	s28 =	sor.u32 $0x10, s19  }
0x176: {  	[tilespmem:s26+$0x18C00] =	vst v3;
	s26 =	sor.u32 s28, s20  }
0x177: {  	s0 =	sadd.s32 s28, s18;
	v3 =	vld [tilespmem:s26+$0x400]  }
0x178: {  	v4 =	vld [tilespmem:s0+$0x0]  }
0x179: {  	s31 =	sadd.s32 s28, s21  }
0x17a: {  	v5 =	vld [tilespmem:s31+$0x0]  }
0x17b: {  	s0 =	sadd.s32 s28, s22  }
0x17c: {  	v6 =	vld [tilespmem:s0+$0x0]  }
0x17d: {  	s31 =	sadd.s32 s28, s24;
	v3 =	vadd.f32 v4, v3  }
0x17e: {  	v4 =	vld [tilespmem:s31+$0x0]  }
0x17f: {  	s0 =	sadd.s32 s28, s25;
	v3 =	vadd.f32 v5, v3  }
0x180: {  	v5 =	vld [tilespmem:s0+$0x0]  }
0x181: {  	s28 =	sadd.s32 s28, s23;
	v3 =	vadd.f32 v6, v3  }
0x182: {  	v6 =	vld [tilespmem:s28+$0x0]  }
0x183: {  	v3 =	vadd.f32 v4, v3;
	_ =	sdelay $0x1  }
0x184: {  	v3 =	vadd.f32 v5, v3;
	_ =	sdelay $0x1  }
0x185: {  	v3 =	vadd.f32 v6, v3;
	_ =	sdelay $0x1  }
0x186: {  	v3 =	vmul.f32 $1.428571490e-01, v3  }
0x187: {  	s28 =	sor.u32 $0x20, s19  }
0x188: {  	[tilespmem:s26+$0x18C00] =	vst v3;
	s26 =	sor.u32 s28, s20  }
0x189: {  	s31 =	sadd.s32 s28, s18;
	v3 =	vld [tilespmem:s26+$0x400]  }
0x18a: {  	v4 =	vld [tilespmem:s31+$0x0]  }
0x18b: {  	s0 =	sadd.s32 s28, s21  }
0x18c: {  	v5 =	vld [tilespmem:s0+$0x0]  }
0x18d: {  	s31 =	sadd.s32 s28, s22  }
0x18e: {  	v6 =	vld [tilespmem:s31+$0x0]  }
0x18f: {  	s0 =	sadd.s32 s28, s24;
	v3 =	vadd.f32 v4, v3  }
0x190: {  	v4 =	vld [tilespmem:s0+$0x0]  }
0x191: {  	s31 =	sadd.s32 s28, s25;
	v3 =	vadd.f32 v5, v3  }
0x192: {  	v5 =	vld [tilespmem:s31+$0x0]  }
0x193: {  	s28 =	sadd.s32 s28, s23;
	v3 =	vadd.f32 v6, v3  }
0x194: {  	v6 =	vld [tilespmem:s28+$0x0]  }
0x195: {  	v3 =	vadd.f32 v4, v3;
	_ =	sdelay $0x1  }
0x196: {  	v3 =	vadd.f32 v5, v3;
	_ =	sdelay $0x1  }
0x197: {  	v3 =	vadd.f32 v6, v3;
	_ =	sdelay $0x1  }
0x198: {  	v3 =	vmul.f32 $1.428571490e-01, v3  }
0x199: {  	s0 =	sor.u32 $0x30, s19  }
0x19a: {  	s30 =	sor.u32 s0, s20;
	[tilespmem:s26+$0x18C00] =	vst v3  }
0x19b: {  	s18 =	sadd.s32 s0, s18;
	v3 =	vld [tilespmem:s30+$0x400]  }
0x19c: {  	v4 =	vld [tilespmem:s18+$0x0]  }
0x19d: {  	s21 =	sadd.s32 s0, s21  }
0x19e: {  	v5 =	vld [tilespmem:s21+$0x0]  }
0x19f: {  	s22 =	sadd.s32 s0, s22  }
0x1a0: {  	v6 =	vld [tilespmem:s22+$0x0]  }
0x1a1: {  	s26 =	sadd.s32 s0, s24;
	v3 =	vadd.f32 v4, v3  }
0x1a2: {  	v4 =	vld [tilespmem:s26+$0x0]  }
0x1a3: {  	s29 =	sadd.s32 s0, s25;
	v3 =	vadd.f32 v5, v3  }
0x1a4: {  	v5 =	vld [tilespmem:s29+$0x0]  }
0x1a5: {  	v3 =	vadd.f32 v6, v3;
	_ =	sdelay $0x1  }
0x1a6: {  	v4 =	vadd.f32 v4, v3  }
0x1a7: {  	s19 =	simm.s32 $0x4;
	s31 =	sadd.s32 s0, s23  }
0x1a8: {  	s20 =	simm.s32 $0x0;
	s18 =	simm.s32 $0x40;
	s26 =	rddreg [dreg:$0x8];
	v3 =	vld [tilespmem:s31+$0x0];
	v4 =	vadd.f32 v5, v4  }
.LBB2_4:
0x1a9: {  	_ =	sdelay $0x3  }
0x1aa: {  	v3 =	vadd.f32 v3, v4  }
0x1ab: {  	s20 =	sadd.s32 $0x200, s20  }
0x1ac: {  	s21 =	rddreg [dreg:$0x3];
	s29 =	sand.u32 $0x400, s20;
	v3 =	vmul.f32 $1.428571490e-01, v3  }
0x1ad: {  	s24 =	sand.u32 $0x40, s18;
	s23 =	sadd.s32 s29, s21  }
0x1ae: {  	s25 =	sor.u32 s29, s17;
	s31 =	sadd.s32 s24, s23;
	[tilespmem:s30+$0x18C00] =	vst v3  }
0x1af: {  	s28 =	rddreg [dreg:$0x4];
	s30 =	sor.u32 s24, s25;
	v3 =	vld [tilespmem:s31+$0x0]  }
0x1b0: {  	s21 =	sadd.s32 s29, s26;
	s26 =	sadd.s32 s29, s28;
	v4 =	vld [tilespmem:s30+$0x400]  }
0x1b1: {  	s28 =	sadd.s32 s24, s26;
	s31 =	rddreg [dreg:$0x5]  }
0x1b2: {  	s22 =	rddreg [dreg:$0x7];
	v5 =	vld [tilespmem:s28+$0x0];
	s28 =	sadd.s32 s29, s31  }
0x1b3: {  	s0 =	rddreg [dreg:$0x6];
	s31 =	sadd.s32 s24, s28  }
0x1b4: {  	s22 =	sadd.s32 s29, s22;
	s29 =	sadd.s32 s29, s0;
	v6 =	vld [tilespmem:s31+$0x0]  }
0x1b5: {  	s0 =	sadd.s32 s24, s29;
	v3 =	vadd.f32 v3, v4  }
0x1b6: {  	v4 =	vld [tilespmem:s0+$0x0]  }
0x1b7: {  	s31 =	sadd.s32 s24, s22;
	v3 =	vadd.f32 v5, v3  }
0x1b8: {  	v5 =	vld [tilespmem:s31+$0x0]  }
0x1b9: {  	s31 =	sadd.s32 s24, s21;
	v3 =	vadd.f32 v6, v3  }
0x1ba: {  	v6 =	vld [tilespmem:s31+$0x0]  }
0x1bb: {  	v3 =	vadd.f32 v4, v3;
	_ =	sdelay $0x1  }
0x1bc: {  	v3 =	vadd.f32 v5, v3;
	_ =	sdelay $0x1  }
0x1bd: {  	v3 =	vadd.f32 v6, v3;
	_ =	sdelay $0x1  }
0x1be: {  	v3 =	vmul.f32 $1.428571490e-01, v3  }
0x1bf: {  	s0 =	sor.u32 $0x10, s24  }
0x1c0: {  	[tilespmem:s30+$0x18C00] =	vst v3;
	s30 =	sor.u32 s0, s25  }
0x1c1: {  	s31 =	sadd.s32 s0, s23;
	v3 =	vld [tilespmem:s30+$0x400]  }
0x1c2: {  	v4 =	vld [tilespmem:s31+$0x0]  }
0x1c3: {  	s31 =	sadd.s32 s0, s26  }
0x1c4: {  	v5 =	vld [tilespmem:s31+$0x0]  }
0x1c5: {  	s31 =	sadd.s32 s0, s28  }
0x1c6: {  	v6 =	vld [tilespmem:s31+$0x0]  }
0x1c7: {  	s31 =	sadd.s32 s0, s29;
	v3 =	vadd.f32 v4, v3  }
0x1c8: {  	v4 =	vld [tilespmem:s31+$0x0]  }
0x1c9: {  	s31 =	sadd.s32 s0, s22;
	v3 =	vadd.f32 v5, v3  }
0x1ca: {  	v5 =	vld [tilespmem:s31+$0x0]  }
0x1cb: {  	s0 =	sadd.s32 s0, s21;
	v3 =	vadd.f32 v6, v3  }
0x1cc: {  	v6 =	vld [tilespmem:s0+$0x0]  }
0x1cd: {  	v3 =	vadd.f32 v4, v3;
	_ =	sdelay $0x1  }
0x1ce: {  	v3 =	vadd.f32 v5, v3;
	_ =	sdelay $0x1  }
0x1cf: {  	v3 =	vadd.f32 v6, v3;
	_ =	sdelay $0x1  }
0x1d0: {  	v3 =	vmul.f32 $1.428571490e-01, v3  }
0x1d1: {  	s0 =	sor.u32 $0x20, s24  }
0x1d2: {  	[tilespmem:s30+$0x18C00] =	vst v3;
	s30 =	sor.u32 s0, s25  }
0x1d3: {  	s31 =	sadd.s32 s0, s23;
	v3 =	vld [tilespmem:s30+$0x400]  }
0x1d4: {  	v4 =	vld [tilespmem:s31+$0x0]  }
0x1d5: {  	s31 =	sadd.s32 s0, s26  }
0x1d6: {  	v5 =	vld [tilespmem:s31+$0x0]  }
0x1d7: {  	s31 =	sadd.s32 s0, s28  }
0x1d8: {  	v6 =	vld [tilespmem:s31+$0x0]  }
0x1d9: {  	s31 =	sadd.s32 s0, s29;
	v3 =	vadd.f32 v4, v3  }
0x1da: {  	v4 =	vld [tilespmem:s31+$0x0]  }
0x1db: {  	s31 =	sadd.s32 s0, s22;
	v3 =	vadd.f32 v5, v3  }
0x1dc: {  	v5 =	vld [tilespmem:s31+$0x0]  }
0x1dd: {  	s0 =	sadd.s32 s0, s21;
	v3 =	vadd.f32 v6, v3  }
0x1de: {  	v6 =	vld [tilespmem:s0+$0x0]  }
0x1df: {  	v3 =	vadd.f32 v4, v3;
	_ =	sdelay $0x1  }
0x1e0: {  	v3 =	vadd.f32 v5, v3;
	_ =	sdelay $0x1  }
0x1e1: {  	v3 =	vadd.f32 v6, v3;
	_ =	sdelay $0x1  }
0x1e2: {  	v3 =	vmul.f32 $1.428571490e-01, v3  }
0x1e3: {  	s24 =	sor.u32 $0x30, s24  }
0x1e4: {  	[tilespmem:s30+$0x18C00] =	vst v3;
	s30 =	sor.u32 s24, s25  }
0x1e5: {  	s23 =	sadd.s32 s24, s23;
	v3 =	vld [tilespmem:s30+$0x400]  }
0x1e6: {  	v4 =	vld [tilespmem:s23+$0x0]  }
0x1e7: {  	s26 =	sadd.s32 s24, s26  }
0x1e8: {  	v5 =	vld [tilespmem:s26+$0x0]  }
0x1e9: {  	s28 =	sadd.s32 s24, s28  }
0x1ea: {  	v6 =	vld [tilespmem:s28+$0x0]  }
0x1eb: {  	s31 =	sadd.s32 s24, s29;
	v4 =	vadd.f32 v4, v3  }
0x1ec: {  	v7 =	vld [tilespmem:s31+$0x0]  }
0x1ed: {  	s19 =	sadd.s32 $0x4, s19;
	s22 =	sadd.s32 s24, s22;
	v4 =	vadd.f32 v5, v4  }
0x1ee: {  	p0 =	slt.u32 s19, $0xC;
	v8 =	vld [tilespmem:s22+$0x0]  }
.Ltmp0:
0x1ef: {  	v4 =	vadd.f32 v6, v4;
	(pc) =	sbr.rel @p0 .LBB2_4-.Ltmp0, $4  }
0x1f0: {  	_ = 	snop  }
0x1f1: {  	v4 =	vadd.f32 v7, v4  }
0x1f2: {  	s0 =	sadd.s32 s24, s21  }
0x1f3: {  	s18 =	sadd.s32 $0x40, s18;
	s26 =	rddreg [dreg:$0x8];
	v3 =	vld [tilespmem:s0+$0x0];
	v4 =	vadd.f32 v8, v4  }
0x1f4: {  	_ =	sdelay $0x3  }
0x1f5: {  	v3 =	vadd.f32 v3, v4  }
0x1f6: {  	s19 =	sadd.s32 $0x200, s20  }
0x1f7: {  	s0 =	rddreg [dreg:$0x3];
	s24 =	sand.u32 $0x400, s19;
	v3 =	vmul.f32 $1.428571490e-01, v3  }
0x1f8: {  	s19 =	sand.u32 $0x40, s18;
	s18 =	sadd.s32 s24, s0  }
0x1f9: {  	s17 =	sor.u32 s24, s17;
	s29 =	sadd.s32 s19, s18;
	[tilespmem:s30+$0x18C00] =	vst v3  }
0x1fa: {  	s28 =	rddreg [dreg:$0x4];
	s25 =	sor.u32 s19, s17;
	v3 =	vld [tilespmem:s29+$0x0]  }
0x1fb: {  	s20 =	sadd.s32 s24, s28;
	v42 =	vld [tilespmem:s25+$0x400]  }
0x1fc: {  	s21 =	rddreg [dreg:$0x5];
	s0 =	sadd.s32 s19, s20  }
0x1fd: {  	s21 =	sadd.s32 s24, s21;
	v5 =	vld [tilespmem:s0+$0x0]  }
0x1fe: {  	s22 =	rddreg [dreg:$0x6];
	s23 =	sadd.s32 s19, s21  }
0x1ff: {  	v6 =	vld [tilespmem:s23+$0x0];
	s23 =	sadd.s32 s24, s22  }
0x200: {  	s31 =	rddreg [dreg:$0x7];
	s28 =	sadd.s32 s19, s23;
	v3 =	vadd.f32 v3, v42  }
0x201: {  	s22 =	sadd.s32 s24, s31;
	v43 =	vld [tilespmem:s28+$0x0]  }
0x202: {  	s0 =	sadd.s32 s19, s22;
	v3 =	vadd.f32 v5, v3  }
0x203: {  	s24 =	sadd.s32 s24, s26;
	v44 =	vld [tilespmem:s0+$0x0]  }
0x204: {  	s29 =	sadd.s32 s19, s24;
	v3 =	vadd.f32 v6, v3  }
0x205: {  	v45 =	vld [tilespmem:s29+$0x0]  }
0x206: {  	v3 =	vadd.f32 v43, v3;
	_ =	sdelay $0x1  }
0x207: {  	v3 =	vadd.f32 v44, v3;
	_ =	sdelay $0x1  }
0x208: {  	v3 =	vadd.f32 v45, v3;
	_ =	sdelay $0x1  }
0x209: {  	v3 =	vmul.f32 $1.428571490e-01, v3  }
0x20a: {  	s0 =	sor.u32 $0x10, s19  }
0x20b: {  	[tilespmem:s25+$0x18C00] =	vst v3;
	s25 =	sor.u32 s0, s17  }
0x20c: {  	s30 =	sadd.s32 s0, s18;
	v3 =	vld [tilespmem:s25+$0x400]  }
0x20d: {  	v46 =	vld [tilespmem:s30+$0x0]  }
0x20e: {  	s31 =	sadd.s32 s0, s20  }
0x20f: {  	v47 =	vld [tilespmem:s31+$0x0]  }
0x210: {  	s28 =	sadd.s32 s0, s21  }
0x211: {  	v48 =	vld [tilespmem:s28+$0x0]  }
0x212: {  	s29 =	sadd.s32 s0, s23;
	v3 =	vadd.f32 v46, v3  }
0x213: {  	v49 =	vld [tilespmem:s29+$0x0]  }
0x214: {  	s30 =	sadd.s32 s0, s22;
	v3 =	vadd.f32 v47, v3  }
0x215: {  	v50 =	vld [tilespmem:s30+$0x0]  }
0x216: {  	s0 =	sadd.s32 s0, s24;
	v3 =	vadd.f32 v48, v3  }
0x217: {  	v51 =	vld [tilespmem:s0+$0x0]  }
0x218: {  	v3 =	vadd.f32 v49, v3;
	_ =	sdelay $0x1  }
0x219: {  	v3 =	vadd.f32 v50, v3;
	_ =	sdelay $0x1  }
0x21a: {  	v3 =	vadd.f32 v51, v3;
	_ =	sdelay $0x1  }
0x21b: {  	v3 =	vmul.f32 $1.428571490e-01, v3  }
0x21c: {  	s0 =	sor.u32 $0x20, s19  }
0x21d: {  	[tilespmem:s25+$0x18C00] =	vst v3;
	s25 =	sor.u32 s0, s17  }
0x21e: {  	s31 =	sadd.s32 s0, s18;
	v3 =	vld [tilespmem:s25+$0x400]  }
0x21f: {  	v52 =	vld [tilespmem:s31+$0x0]  }
0x220: {  	s28 =	sadd.s32 s0, s20  }
0x221: {  	v53 =	vld [tilespmem:s28+$0x0]  }
0x222: {  	s29 =	sadd.s32 s0, s21  }
0x223: {  	v54 =	vld [tilespmem:s29+$0x0]  }
0x224: {  	s30 =	sadd.s32 s0, s23;
	v3 =	vadd.f32 v52, v3  }
0x225: {  	v55 =	vld [tilespmem:s30+$0x0]  }
0x226: {  	s31 =	sadd.s32 s0, s22;
	v3 =	vadd.f32 v53, v3  }
0x227: {  	v56 =	vld [tilespmem:s31+$0x0]  }
0x228: {  	s0 =	sadd.s32 s0, s24;
	v3 =	vadd.f32 v54, v3  }
0x229: {  	v57 =	vld [tilespmem:s0+$0x0]  }
0x22a: {  	v3 =	vadd.f32 v55, v3;
	_ =	sdelay $0x1  }
0x22b: {  	v3 =	vadd.f32 v56, v3;
	_ =	sdelay $0x1  }
0x22c: {  	v3 =	vadd.f32 v57, v3;
	_ =	sdelay $0x1  }
0x22d: {  	v3 =	vmul.f32 $1.428571490e-01, v3  }
0x22e: {  	s26 =	sor.u32 $0x30, s19  }
0x22f: {  	s17 =	sor.u32 s26, s17;
	[tilespmem:s25+$0x18C00] =	vst v3  }
0x230: {  	s18 =	sadd.s32 s26, s18;
	v3 =	vld [tilespmem:s17+$0x400]  }
0x231: {  	v58 =	vld [tilespmem:s18+$0x0]  }
0x232: {  	s28 =	sadd.s32 s26, s20  }
0x233: {  	v59 =	vld [tilespmem:s28+$0x0]  }
0x234: {  	s29 =	sadd.s32 s26, s21  }
0x235: {  	v60 =	vld [tilespmem:s29+$0x0]  }
0x236: {  	s30 =	sadd.s32 s26, s23;
	v3 =	vadd.f32 v58, v3  }
0x237: {  	v61 =	vld [tilespmem:s30+$0x0]  }
0x238: {  	s31 =	sadd.s32 s26, s22;
	v3 =	vadd.f32 v59, v3  }
0x239: {  	v62 =	vld [tilespmem:s31+$0x0]  }
0x23a: {  	s0 =	sadd.s32 s26, s24;
	v3 =	vadd.f32 v60, v3  }
0x23b: {  	v63 =	vld [tilespmem:s0+$0x0]  }
0x23c: {  	v3 =	vadd.f32 v61, v3;
	_ =	sdelay $0x1  }
0x23d: {  	s16 =	sadd.s32 $0x1, s16;
	v3 =	vadd.f32 v62, v3  }
0x23e: {  	p0 =	sne.s32 s16, $0x38  }
.Ltmp1:
0x23f: {  	v3 =	vadd.f32 v63, v3;
	(pc) =	sbr.rel @p0 .LBB2_3-.Ltmp1, $3  }
0x240: {  	_ = 	snop  }
0x241: {  	v3 =	vmul.f32 $1.428571490e-01, v3;
	_ =	sdelay $0x1  }
0x242: {  	[tilespmem:s17+$0x18C00] =	vst v3  }
0x243: {  	s0 =	smul.u32 $0x700, s14;
	s13 =	sadd.s32 $0x1, s13  }
0x244: {  	p0 =	sne.s32 s13, $0x17  }
.Ltmp2:
0x245: {  	s31 =	simm.s32 $0x0;
	s0 =	sadd.s32 s5, s0;
	(pc) =	sbr.rel @p0 .LBB2_2-.Ltmp2, $4  }
0x246: {  	[hbm4b:s0+s31] =	stream.linear.scatter [tilespmem:s11], [sflag:$0x2], $0x3800, $0x38;
	[tilespmem:$0x1C400] =	vst v63  }
0x247: {  	_ =	swait.ge [sflag:s12], $0x3800  }
0x248: {  	[sflag:s12] =	ssyncset.done $0x0  }
0x249: {  	[sflag:s12] =	ssyncadd.s32 $0xFFFFC800  }
0x24a: {  	s13 =	rddreg [dreg:$0xa]  }
0x24b: {  	s0 =	rddreg [dreg:$0x9];
	s13 =	sadd.s32 $0x1, s13  }
0x24c: {  	p0 =	sne.s32 s13, s0  }
.Ltmp3:
0x24d: {  	_ = 	snop;
	(pc) =	sbr.rel @p0 .LBB2_1-.Ltmp3, $1  }
0x24e: {  	_ =	sdelay $0x3  }
0x24f: {  	_ =	sfence.sel $0x180000  }
0x250: {  	[bflag:$0x0] =	sbarrier.arrive $0xFFFF  }
0x251: {  	_ =	strace $0x9000004A  }
0x252: {  	s0 =	stileid.u32;
	[bflag:$0x2] =	sbarrier.arrive $0xFFFF  }
0x253: {  	p0 =	sne.s32 s0, $0x0;
	s0 =	rddreg [dreg:$0x2]  }
0x254: {  	s0 =	sadd.s32 @!p0 $0x100000, s0  }
0x255: {  	[sflag:s0] =	ssyncadd.tile.s32 @!p0 $0x1;
	_ =	shalt  }
.Lfunc_end2:
_tile_overlayer_lowered:
.L_overlay_start_2:
0x256: {  	(tag) =	ssettag $0x2  }
0x257: {  	s0 =	rddreg [dreg:$0x0];
	s2 =	stileid.u32  }
0x258: {  	s1 =	rddreg [dreg:$0x1];
	p0 =	sne.s32 s2, $0x0  }
0x259: {  	s3 =	rddreg [dreg:$0x2];
	[bflag:$0x3] =	sbarrier.arrive $0xFFFF;
	s2 =	simm.s32 @!p0 $0x1C03  }
0x25a: {  	[timem:s3], [sflag:s2] =	dma.local @!p0 [hbm:s0], s1  }
0x25b: {  	s0 =	simm.s32 @!p0 $0x3  }
0x25c: {  	_ =	swait.ge @!p0 [sflag:s0], s1  }
0x25d: {  	s1 =	ssub.s32 @!p0 $0x0, s1;
	[sflag:s0] =	ssyncset.done @!p0 $0x0  }
0x25e: {  	[sflag:s0] =	ssyncadd.s32 @!p0 s1  }
0x25f: {  	[bflag:$0x3] =	sbarrier.arrive $0xFFFF  }
0x260: {  	_ =	shalt  }

// kernel: sparse-core-data-format-call.1.cloned.1.call-start
scs
called_computation.1_lowered:
.L_overlay_start_0:
0x0: {  	s2 =	sld [smem:$0x3FD9]  }
0x1: {  	s3 =	sld [smem:$0x3FFE];
	_ =	sdelay $0x1  }
0x2: {  	s1 =	srdreg.scid  }
0x3: {  	s0 =	sand.u32 $0x1, s1  }
0x4: {  	s18 =	sshll.u32 s0, $0xA;
	s2 =	sadd.s32 s3, s2  }
0x5: {  	s2 =	sadd.s32 s2, s18  }
0x6: {  	[smem:$0x3FC5] =	sst s2  }
0x7: {  	_ = 	snop  }
0x8: {  	s2 =	sld [smem:$0x3FC9];
	(tm) =	ssettm $0x1  }
0x9: {  	s19 =	sld [smem:$0x3FFB];
	_ =	sdelay $0x3  }
0xa: {  	_ =	strace s19  }
0xb: {  	s3 =	sld [smem:$0x3FFC];
	_ =	sdelay $0x3  }
0xc: {  	_ =	strace s3  }
0xd: {  	s3 =	sld [smem:$0x3FFD];
	_ =	sdelay $0x3  }
0xe: {  	_ =	strace s3  }
0xf: {  	_ =	strace $0x8FFFFFFF  }
0x10: {  	s20 =	sld [smem:$0x3FDB];
	_ =	sdelay $0x1  }
0x11: {  	s4 =	simm.s32 $_scs_section_size  }
0x12: {  	s5 =	simm.s32 $_size__tile_overlayer_lowered;
	s6 =	simm.s32 $_tile_overlayer_lowered  }
0x13: {  	s23 =	simm.s32 $0x1BFF;
	s22 =	sshll.u32 s6, $0x1;
	s3 =	sadd.s32 s4, s20  }
0x14: {  	s7 =	simm.s32 $0x0;
	s21 =	sshll.u32 s5, $0x1;
	s5 =	sadd.s32 s22, s3  }
0x15: {  	[timem:s7], [sflag:s23] =	dma.local [hbm:s5], s21  }
0x16: {  	_ =	swait.ge [sflag:s23], s21  }
0x17: {  	s4 =	ssub.s32 $0x0, s21;
	[sflag:s23] =	ssyncset.done $0x0  }
0x18: {  	[sflag:s23] =	ssyncadd.s32 s4;
	_ =	sdelay $0x1  }
0x19: {  	s24 =	simm.s32 $0x1B8B  }
0x1a: {  	_ =	swait.ge [sflag:s24], $0x1  }
0x1b: {  	[sflag:s24] =	ssyncset.done $0x0  }
0x1c: {  	s26 =	simm.s32 $0x1B8E;
	s25 =	sld [smem:$0x3FFE];
	[sflag:s24] =	ssyncadd.s32 $0xFFFFFFFF  }
0x1d: {  	s27 =	simm.s32 $execute0_lowered;
	[smem:$0x3FD2] =	sst s26  }
0x1e: {  	s5 =	sshll.u32 s27, $0x1;
	_ =	strace $0x80000046;
	[dreg:$0x1] =	wrdreg $0xFFFFFFFF  }
0x1f: {  	s28 =	simm.s32 $_size_execute0_lowered;
	s3 =	sadd.s32 s3, s5;
	[dreg:$0x0] =	wrdreg $0x0  }
0x20: {  	s5 =	sshll.u32 s28, $0x1;
	[dreg:$0x2] =	wrdreg s3  }
0x21: {  	[dreg:$0x3] =	wrdreg s5  }
0x22: {  	[dreg:$0x4] =	wrdreg $0xC0  }
0x23: {  	_ =	task [dreg:s7], $0x5FFFF  }
0x24: {  	[dreg:$0x1] =	wrdreg $0xFFFFFFFF  }
0x25: {  	[dreg:$0x0] =	wrdreg $0x60  }
0x26: {  	[dreg:$0x2] =	wrdreg s2  }
0x27: {  	[dreg:$0x3] =	wrdreg s25  }
0x28: {  	[dreg:$0x4] =	wrdreg $0x9  }
0x29: {  	_ =	task.clear_ibuf [dreg:s7], $0x5FFFF;
	_ =	strace $0x90000046  }
0x2a: {  	s29 =	simm.s32 $0x9;
	_ =	strace $0x80000048  }
0x2b: {  	_ =	swait.ge [sflag:s29], $0x1  }
0x2c: {  	[sflag:s29] =	ssyncadd.s32 $0xFFFFFFFF  }
0x2d: {  	_ =	strace $0x90000048  }
0x2e: {  	_ =	sfence  }
0x2f: {  	s30 =	sld [smem:$0x0];
	_ =	sdelay $0x2  }
0x30: {  	s31 =	sshll.u32 s1, $0xD;
	s1 =	sshrl.u32 s1, $0x2  }
0x31: {  	s3 =	sand.u32 $0x4000, s31;
	s1 =	sadd.s32 s1, s30  }
0x32: {  	s0 =	sor.u32 s3, s0;
	s1 =	sshll.u32 s1, $0x11  }
0x33: {  	s0 =	sor.u32 s1, s0  }
0x34: {  	s0 =	sadd.s32 $0x8F2B, s0  }
0x35: {  	[sflag:s0] =	ssyncadd.remote.s32 $0x1  }
0x36: {  	_ =	sfence.sel $0xFFFF  }
0x37: {  	[dreg:$0x0] =	wrdreg $0xFFFFFFFF;
	(pc) =	sbr.abs _section_cstart, $3  }
0x38: {  	[dreg:$0x1] =	wrdreg $0xFFFFFFFF  }
0x39: {  	_ =	task.clear_ibuf [dreg:s7], $0x2FFFF;
	_ =	strace $0x9FFFFFFF  }
0x3a: {  	(tm) =	ssettm $0x7FFFFFFF  }
0x3b: {  	_ =	shalt  }
tec
execute0_lowered:
.L_overlay_start_1:
0x0: {  	(tag) =	ssettag $0x1  }
0x1: {  	s0 =	stileid.u32  }
0x2: {  	s1 =	srdreg.scid;
	s7 =	rddreg [dreg:$0x1];
	s31 =	simm.s32 $0x2  }
0x3: {  	s16 =	simm.s32 $0x0;
	p0 =	por $0x0, $0x0;
	s9 =	simm.s32 $0x800  }
0x4: {  	s15 =	simm.s32 $0x0;
	s10 =	simm.s32 $0x0;
	s11 =	simm.s32 $0x0  }
0x5: {  	s2 =	sshll.u32 s0, $0x7;
	s3 =	sshll.u32 s0, $0x6;
	s4 =	sshll.u32 s1, $0xA  }
0x6: {  	s14 =	simm.s32 $0x0;
	s1 =	sand.u32 $0x80, s2;
	s29 =	sor.u32 s3, s4  }
0x7: {  	s3 =	rddreg [dreg:$0x0];
	s4 =	sand.u32 $0x780, s29;
	s30 =	ssub.s32 $0x100, s1  }
0x8: {  	s5 =	sshrl.u32 s30, $0x7;
	s6 =	ssub.s32 $0x28000, s4;
	s8 =	sshrl.u32 s30, $0x8  }
.Ltmp0:
0x9: {  	s5 =	sand.u32 $0x1, s5;
	s6 =	sshrl.u32 s6, $0xB;
	(pc) =	sbr.rel .LBB1_1-.Ltmp0, $4  }
0xa: {  	s2 =	rddreg [dreg:$0x2];
	s8 =	sadd.s32 s8, s5;
	s6 =	sadd.s32 $0x1, s6  }
0xb: {  	_ =	strace $0x80000047;
	s5 =	simm.s32 $0x1;
	s6 =	smul.u32 s8, s6  }
0xc: {  	s7 =	sadd.s32 $0x1000, s7;
	s13 =	smov.u32 s1;
	[sflag:s5] =	ssyncpa.u1 $0x0  }
0xd: {  	s12 =	smov.u32 s4;
	[sflag:s31] =	ssyncpa.u1 $0x0;
	s8 =	sadd.s32 $0x1, s6  }
.LBB1_4:
0xe: {  	s21 =	sshra.s32 s21, $0x2;
	s22 =	sshll.u32 s10, $0x8  }
0xf: {  	s23 =	sshll.u32 s11, $0x3;
	s24 =	sshll.u32 s10, $0x7;
	s27 =	sand.u32 $0x78, s11  }
0x10: {  	p1 =	sgt.s32 s10, $0x27F88;
	s22 =	sand.u32 $0xFFFFF800, s22;
	s23 =	sand.u32 $0xFFFFFC00, s23  }
0x11: {  	s20 =	sadd.s32 s21, s20;
	s26 =	sand.u32 $0x300, s24;
	s28 =	sand.u32 $0x80, s24  }
0x12: {  	v5 =	vld [tilespmem:s18+$0xFFFFFFD0];
	[tilespmem:s19+$0x2040 ss:$0x81] =	vst.msk $0xffff, v4;
	s25 =	sadd.s32 s23, s22;
	s22 =	sor.u32 s27, s28;
	s23 =	smov.u32 s10  }
0x13: {  	v58 =	vld [tilespmem:s18+$0xFFFFFFE0];
	[tilespmem:s19+$0x2850 ss:$0x81] =	vst.msk $0xffff, v3;
	s21 =	sor.u32 s26, s25;
	s23 =	simm.s32 @!p1 $0x27F88;
	s25 =	sshra.s32 s10, $0x1F  }
0x14: {  	v59 =	vld [tilespmem:s18+$0xFFFFFFF0];
	[tilespmem:s19+$0x3060 ss:$0x81] =	vst.msk $0xffff, v2;
	p1 =	sgt.s32 s11, $0x80;
	s26 =	sshra.s32 s11, $0x1F;
	s21 =	sshrl.u32 s21, $0x8  }
0x15: {  	v60 =	vld [tilespmem:s18+$0x0];
	[tilespmem:s19+$0x0 ss:$0x81] =	vst.msk $0xffff, v1;
	s30 =	sand.u32 s25, s10;
	s25 =	smov.u32 s11;
	s31 =	sand.u32 s26, s11  }
0x16: {  	v61 =	vld [tilespmem:s18+$0x10];
	[tilespmem:s20+$0x3870 ss:$0x81] =	vst.msk $0xffff, v0;
	s29 =	smulhi.u32 $0x66651F, s21;
	s19 =	ssub.s32 s23, s30;
	s25 =	simm.s32 @!p1 $0x80  }
0x17: {  	v62 =	vld [tilespmem:s18+$0x20];
	[tilespmem:s20+$0x810 ss:$0x81] =	vst.msk $0xffff, v5;
	s23 =	ssub.s32 s25, s31;
	s26 =	sadd.s32 $0xFFFD8078, s19;
	s19 =	ssub.s32 $0x28008, s19  }
0x18: {  	v63 =	vld [tilespmem:s18+$0xFFFFFFC0];
	[tilespmem:s20+$0x1020 ss:$0x81] =	vst.msk $0xffff, v58;
	s24 =	sshrl.u32 s29, $0x8;
	p1 =	sgt.s32 s26, $0x7F;
	s28 =	sadd.s32 $0xFFFFFF80, s23  }
0x19: {  	[tilespmem:s20+$0x1830 ss:$0x81] =	vst.msk $0xffff, v59;
	s23 =	ssub.s32 $0x100, s23;
	s27 =	smul.u32 $0x28008, s24;
	p2 =	sgt.s32 s28, $0x7F  }
0x1a: {  	[tilespmem:s20+$0x2040 ss:$0x81] =	vst.msk $0xffff, v60;
	s30 =	sand.u32 $0x7, s11;
	s19 =	simm.s32 @p1 $0x0;
	s23 =	simm.s32 @p2 $0x0  }
0x1b: {  	[tilespmem:s20+$0x2850 ss:$0x81] =	vst.msk $0xffff, v61;
	s29 =	sshrl.u32 s22, $0x3;
	s18 =	ssub.s32 s21, s27;
	s19 =	smul.u32 s23, s19  }
0x1c: {  	[tilespmem:s20+$0x3060 ss:$0x81] =	vst.msk $0xffff, v62;
	s22 =	sshll.u32 s30, $0x12;
	s21 =	sadd.s32 s7, s29;
	s18 =	sshll.u32 s18, $0x5  }
0x1d: {  	[tilespmem:s20+$0x0 ss:$0x81] =	vst.msk $0xffff, v63;
	s31 =	sor.u32 $0x400, s22;
	s19 =	sand.u32 $0x3FFFFFFF, s19;
	s18 =	sadd.s32 s18, s21  }
0x1e: {  	[hbm4b:s18+s31] =	stream.strided.scatter [tilespmem:s17], [sflag:$0x2], s19, s9, s31, $0x20;
	[tilespmem:$0x10100] =	vst v63  }
.LBB1_5:
0x1f: {  	p1 =	slt.u32 s14, $0x2  }
0x20: {  	s18 =	smov.u32 s16;
	p2 =	sgt.s32 @!p1 s16, $0x27F88;
	s17 =	sshra.s32 @!p1 s16, $0x1F  }
0x21: {  	p3 =	sgt.s32 @!p1 s15, $0x80;
	s19 =	sshra.s32 @!p1 s15, $0x1F;
	p2 =	por !p2, p1  }
0x22: {  	s16 =	sand.u32 @!p1 s17, s16;
	p3 =	por !p3, p1;
	s17 =	smov.u32 s15  }
0x23: {  	s15 =	sand.u32 @!p1 s19, s15;
	s18 =	simm.s32 @p2 $0x27F88;
	s17 =	simm.s32 @p3 $0x80  }
0x24: {  	s16 =	ssub.s32 @!p1 s18, s16;
	s15 =	ssub.s32 @!p1 s17, s15  }
0x25: {  	s19 =	smov.u32 s13;
	s17 =	sadd.s32 @!p1 $0xFFFD8078, s16;
	s18 =	sadd.s32 @!p1 $0xFFFFFF80, s15  }
0x26: {  	s16 =	ssub.s32 @!p1 $0x28008, s16;
	p2 =	sgt.s32 @!p1 s17, $0x7F;
	p3 =	sgt.s32 @!p1 s18, $0x7F  }
0x27: {  	s15 =	ssub.s32 @!p1 $0x100, s15;
	p2 =	por !p2, p1;
	p3 =	por !p3, p1  }
0x28: {  	s17 =	sadd.s32 $0x800, s12;
	s16 =	simm.s32 @!p2 $0x0;
	s15 =	simm.s32 @!p3 $0x0  }
0x29: {  	p2 =	sgt.s32 s17, $0x28001;
	s15 =	smul.u32 @!p1 s15, s16;
	s16 =	sadd.s32 $0x100, s13  }
0x2a: {  	s19 =	smov.u32 @p2 s16  }
0x2b: {  	s17 =	smov.u32 @p2 s4;
	p2 =	sgt.s32 s19, $0xFF  }
0x2c: {  	s19 =	smov.u32 @p2 s1;
	p2 =	sne.s32 s14, s8  }
.Ltmp1:
0x2d: {  	p0 =	por !p0, !p0;
	s18 =	simm.s32 @!p1 $0x2;
	(pc) =	sbr.rel @!p2 .LBB1_6-.Ltmp1, $4  }
0x2e: {  	s16 =	smov.u32 s10;
	s10 =	smov.u32 s12;
	s15 =	sand.u32 @!p1 $0x3FFFFFFF, s15  }
0x2f: {  	s12 =	smov.u32 s17;
	_ =	swait.ge @!p1 [sflag:s18], s15;
	s20 =	ssub.s32 @!p1 $0x0, s15  }
0x30: {  	s15 =	smov.u32 s11;
	s14 =	sadd.s32 $0x1, s14;
	[sflag:s18] =	ssyncset.done @!p1 $0x0  }
0x31: {  	s11 =	smov.u32 s13;
	s13 =	smov.u32 s19;
	[sflag:s18] =	ssyncadd.s32 @!p1 s20  }
.LBB1_1:
0x32: {  	p1 =	sge.u32 s14, s6  }
0x33: {  	s17 =	sshrl.u32 @!p1 s13, $0x3  }
0x34: {  	s18 =	sshll.u32 @!p1 s12, $0x3;
	s17 =	smul.u32 @!p1 $0x140400, s17  }
0x35: {  	s19 =	sshll.u32 @!p1 s13, $0x7;
	s18 =	sand.u32 @!p1 $0xFFFFFC00, s18  }
0x36: {  	s17 =	sadd.s32 @!p1 s17, s18;
	s18 =	sand.u32 @!p1 $0x380, s19  }
0x37: {  	s19 =	sand.u32 @!p1 $0x7F, s12;
	s17 =	sor.u32 @!p1 s18, s17  }
0x38: {  	s18 =	sor.u32 @!p1 s19, s17  }
0x39: {  	s19 =	smulhi.u32 @!p1 $0x6651EF9D, s18;
	_ =	sdelay $0x1  }
0x3a: {  	s17 =	smulhi.u32 @!p1 $0x6651EF9D, s17;
	s19 =	sshrl.u32 @!p1 s19, $0x10  }
0x3b: {  	s19 =	smul.u32 @!p1 $0x28080, s19  }
0x3c: {  	s31 =	sadd.s32 $0xFFFFFFFF, s14;
	s20 =	sxor.u32 @!p1 $0xFFFFFFFF, s14;
	s17 =	sshrl.u32 @!p1 s17, $0x10  }
0x3d: {  	s20 =	sshll.u32 @!p1 s20, $0xE;
	s17 =	sand.u32 @!p1 $0xFF, s17;
	s18 =	ssub.s32 @!p1 s18, s19  }
0x3e: {  	s17 =	smul.u32 @!p1 $0x5010, s17;
	s19 =	sshrl.u32 @!p1 s18, $0x3;
	s18 =	sand.u32 @!p1 $0x7, s18  }
0x3f: {  	s20 =	sand.u32 @!p1 $0x4000, s20;
	s19 =	sadd.s32 @!p1 s3, s19;
	s18 =	sshll.u32 @!p1 s18, $0x12  }
0x40: {  	s17 =	sadd.s32 @!p1 s17, s19;
	s18 =	sor.u32 @!p1 $0x400, s18;
	s19 =	simm.s32 @!p1 $0x140400  }
0x41: {  	[tilespmem:s20], [sflag:$0x1] =	stream.strided.gather @!p1 [hbm4b:s17+s18], $0x4000, s19, s18, $0x38;
	[tilespmem:$0x10100] =	vst v63  }
0x42: {  	p1 =	sge.u32 s31, s6  }
.Ltmp2:
0x43: {  	_ = 	snop;
	(pc) =	sbr.rel @p1 .LBB1_5-.Ltmp2, $1  }
0x44: {  	_ =	sdelay $0x3  }
0x45: {  	s17 =	simm.s32 $0x1  }
0x46: {  	_ =	swait.ge [sflag:s5], $0x4000;
	s17 =	simm.s32 @!p0 $0x0  }
0x47: {  	[sflag:s5] =	ssyncset.done $0x0;
	s18 =	sshll.u32 s17, $0xE  }
0x48: {  	[sflag:s5] =	ssyncadd.s32 $0xFFFFC000;
	s18 =	sor.u32 $0x40, s18  }
0x49: {  	s17 =	smul.u32 $0x10200, s17;
	v0 =	vld [tilespmem:s18+$0x30]  }
0x4a: {  	v1 =	vld [tilespmem:s18+$0xFFFFFFD0]  }
0x4b: {  	s17 =	sshrl.u32 s17, $0x2;
	v5 =	vld [tilespmem:s18+$0xFFFFFFE0]  }
0x4c: {  	v6 =	vld [tilespmem:s18+$0xFFFFFFF0];
	s20 =	sor.u32 $0x8000, s17  }
0x4d: {  	s31 =	sand.u32 $0x1, s14;
	v4 =	vld [tilespmem:s18+$0x0];
	s19 =	sadd.s32 $0x0, s20  }
0x4e: {  	v3 =	vld [tilespmem:s18+$0x10];
	s17 =	smul.u32 $0x10200, s31;
	[tilespmem:s19+$0x3870 ss:$0x81] =	vst.msk $0xffff, v0  }
0x4f: {  	v2 =	vld [tilespmem:s18+$0x20];
	[tilespmem:s19+$0x810 ss:$0x81] =	vst.msk $0xffff, v1  }
0x50: {  	s17 =	sshrl.u32 s17, $0x2;
	v1 =	vld [tilespmem:s18+$0xFFFFFFC0];
	[tilespmem:s19+$0x1020 ss:$0x81] =	vst.msk $0xffff, v5;
	s18 =	sadd.s32 $0x80, s18  }
0x51: {  	s21 =	simm.s32 $0x4;
	s22 =	simm.s32 $0x8;
	s17 =	sor.u32 $0x8000, s17;
	[tilespmem:s19+$0x1830 ss:$0x81] =	vst.msk $0xffff, v6;
	v0 =	vld [tilespmem:s18+$0x30]  }
.LBB1_3:
0x52: {  	p1 =	sne.s32 s22, $0x1FC;
	v5 =	vld [tilespmem:s18+$0xFFFFFFD0];
	[tilespmem:s19+$0x2040 ss:$0x81] =	vst.msk $0xffff, v4  }
0x53: {  	v6 =	vld [tilespmem:s18+$0xFFFFFFE0];
	[tilespmem:s19+$0x2850 ss:$0x81] =	vst.msk $0xffff, v3  }
0x54: {  	s23 =	sshra.s32 s21, $0x2;
	s21 =	smov.u32 s22;
	v7 =	vld [tilespmem:s18+$0xFFFFFFF0];
	[tilespmem:s19+$0x3060 ss:$0x81] =	vst.msk $0xffff, v2  }
.Ltmp3:
0x55: {  	v4 =	vld [tilespmem:s18+$0x0];
	[tilespmem:s19+$0x0 ss:$0x81] =	vst.msk $0xffff, v1;
	s19 =	sadd.s32 s23, s20;
	(pc) =	sbr.rel @p1 .LBB1_3-.Ltmp3, $4  }
0x56: {  	v3 =	vld [tilespmem:s18+$0x10];
	[tilespmem:s19+$0x3870 ss:$0x81] =	vst.msk $0xffff, v0  }
0x57: {  	[tilespmem:s19+$0x810 ss:$0x81] =	vst.msk $0xffff, v5;
	v2 =	vld [tilespmem:s18+$0x20]  }
0x58: {  	v1 =	vld [tilespmem:s18+$0xFFFFFFC0];
	[tilespmem:s19+$0x1020 ss:$0x81] =	vst.msk $0xffff, v6;
	s18 =	sadd.s32 $0x80, s18  }
0x59: {  	s22 =	sadd.s32 $0x4, s22;
	v0 =	vld [tilespmem:s18+$0x30];
	[tilespmem:s19+$0x1830 ss:$0x81] =	vst.msk $0xffff, v7  }
.Ltmp4:
0x5a: {  	_ = 	snop;
	(pc) =	sbr.rel .LBB1_4-.Ltmp4, $1  }
0x5b: {  	_ =	sdelay $0x3  }
.LBB1_6:
0x5c: {  	_ =	sfence.sel $0x180000  }
0x5d: {  	s1 =	simm.s32 $0x1;
	[bflag:$0x0] =	sbarrier.arrive $0xFFFF  }
0x5e: {  	s31 =	simm.s32 $0x2;
	[sflag:s1] =	ssyncpa.u1 $0x1  }
0x5f: {  	[sflag:s31] =	ssyncpa.u1 $0x1  }
0x60: {  	p0 =	sne.s32 s0, $0x0;
	_ =	strace $0x90000047  }
0x61: {  	s0 =	sadd.s32 @!p0 $0x100000, s2;
	[bflag:$0x2] =	sbarrier.arrive $0xFFFF  }
0x62: {  	[sflag:s0] =	ssyncadd.tile.s32 @!p0 $0x1;
	_ =	shalt  }
.Lfunc_end1:
_tile_overlayer_lowered:
.L_overlay_start_2:
0x63: {  	(tag) =	ssettag $0x2  }
0x64: {  	s0 =	rddreg [dreg:$0x0];
	s2 =	stileid.u32  }
0x65: {  	s1 =	rddreg [dreg:$0x1];
	p0 =	sne.s32 s2, $0x0  }
0x66: {  	s3 =	rddreg [dreg:$0x2];
	[bflag:$0x3] =	sbarrier.arrive $0xFFFF;
	s2 =	simm.s32 @!p0 $0x1C01  }
0x67: {  	[timem:s3], [sflag:s2] =	dma.local @!p0 [hbm:s0], s1  }
0x68: {  	s0 =	simm.s32 @!p0 $0x1  }
0x69: {  	_ =	swait.ge @!p0 [sflag:s0], s1  }
0x6a: {  	s1 =	ssub.s32 @!p0 $0x0, s1;
	[sflag:s0] =	ssyncset.done @!p0 $0x0  }
0x6b: {  	[sflag:s0] =	ssyncadd.s32 @!p0 s1  }
0x6c: {  	[bflag:$0x3] =	sbarrier.arrive $0xFFFF  }
0x6d: {  	_ =	shalt  }

// kernel: sparse-core-data-format-call.cloned.1.call-start
scs
called_computation_lowered:
.L_overlay_start_0:
0x0: {  	s2 =	sld [smem:$0x3FD9]  }
0x1: {  	s3 =	sld [smem:$0x3FFE];
	_ =	sdelay $0x1  }
0x2: {  	s1 =	srdreg.scid  }
0x3: {  	s0 =	sand.u32 $0x1, s1  }
0x4: {  	s18 =	sshll.u32 s0, $0xA;
	s2 =	sadd.s32 s3, s2  }
0x5: {  	s2 =	sadd.s32 s2, s18  }
0x6: {  	[smem:$0x3FC5] =	sst s2  }
0x7: {  	_ = 	snop  }
0x8: {  	s2 =	sld [smem:$0x3FD0];
	(tm) =	ssettm $0x1  }
0x9: {  	s19 =	sld [smem:$0x3FFB];
	_ =	sdelay $0x3  }
0xa: {  	_ =	strace s19  }
0xb: {  	s3 =	sld [smem:$0x3FFC];
	_ =	sdelay $0x3  }
0xc: {  	_ =	strace s3  }
0xd: {  	s3 =	sld [smem:$0x3FFD];
	_ =	sdelay $0x3  }
0xe: {  	_ =	strace s3  }
0xf: {  	_ =	strace $0x8FFFFFFF  }
0x10: {  	s20 =	sld [smem:$0x3FDB];
	_ =	sdelay $0x1  }
0x11: {  	s4 =	simm.s32 $_scs_section_size  }
0x12: {  	s5 =	simm.s32 $_size__tile_overlayer_lowered;
	s6 =	simm.s32 $_tile_overlayer_lowered  }
0x13: {  	s23 =	simm.s32 $0x1BFF;
	s22 =	sshll.u32 s6, $0x1;
	s3 =	sadd.s32 s4, s20  }
0x14: {  	s7 =	simm.s32 $0x0;
	s21 =	sshll.u32 s5, $0x1;
	s5 =	sadd.s32 s22, s3  }
0x15: {  	[timem:s7], [sflag:s23] =	dma.local [hbm:s5], s21  }
0x16: {  	_ =	swait.ge [sflag:s23], s21  }
0x17: {  	s4 =	ssub.s32 $0x0, s21;
	[sflag:s23] =	ssyncset.done $0x0  }
0x18: {  	[sflag:s23] =	ssyncadd.s32 s4;
	_ =	sdelay $0x1  }
0x19: {  	s24 =	simm.s32 $0x1B8B  }
0x1a: {  	_ =	swait.ge [sflag:s24], $0x1  }
0x1b: {  	[sflag:s24] =	ssyncset.done $0x0  }
0x1c: {  	s26 =	simm.s32 $0x1B8E;
	s25 =	sld [smem:$0x3FFE];
	[sflag:s24] =	ssyncadd.s32 $0xFFFFFFFF  }
0x1d: {  	s27 =	simm.s32 $execute0_lowered;
	[smem:$0x3FD2] =	sst s26  }
0x1e: {  	s5 =	sshll.u32 s27, $0x1;
	_ =	strace $0x8000004C;
	[dreg:$0x1] =	wrdreg $0xFFFFFFFF  }
0x1f: {  	s28 =	simm.s32 $_size_execute0_lowered;
	s3 =	sadd.s32 s3, s5;
	[dreg:$0x0] =	wrdreg $0x0  }
0x20: {  	s5 =	sshll.u32 s28, $0x1;
	[dreg:$0x2] =	wrdreg s3  }
0x21: {  	[dreg:$0x3] =	wrdreg s5  }
0x22: {  	[dreg:$0x4] =	wrdreg $0xC0  }
0x23: {  	_ =	task [dreg:s7], $0x5FFFF  }
0x24: {  	[dreg:$0x1] =	wrdreg $0xFFFFFFFF  }
0x25: {  	[dreg:$0x0] =	wrdreg $0x60  }
0x26: {  	[dreg:$0x2] =	wrdreg s25  }
0x27: {  	[dreg:$0x3] =	wrdreg s2  }
0x28: {  	[dreg:$0x4] =	wrdreg $0x9  }
0x29: {  	_ =	task.clear_ibuf [dreg:s7], $0x5FFFF;
	_ =	strace $0x9000004C  }
0x2a: {  	s29 =	simm.s32 $0x9;
	_ =	strace $0x8000004E  }
0x2b: {  	_ =	swait.ge [sflag:s29], $0x1  }
0x2c: {  	[sflag:s29] =	ssyncadd.s32 $0xFFFFFFFF  }
0x2d: {  	_ =	strace $0x9000004E  }
0x2e: {  	_ =	sfence  }
0x2f: {  	s30 =	sld [smem:$0x0];
	_ =	sdelay $0x2  }
0x30: {  	s31 =	sshll.u32 s1, $0xD;
	s1 =	sshrl.u32 s1, $0x2  }
0x31: {  	s3 =	sand.u32 $0x4000, s31;
	s1 =	sadd.s32 s1, s30  }
0x32: {  	s0 =	sor.u32 s3, s0;
	s1 =	sshll.u32 s1, $0x11  }
0x33: {  	s0 =	sor.u32 s1, s0  }
0x34: {  	s0 =	sadd.s32 $0x8F2B, s0  }
0x35: {  	[sflag:s0] =	ssyncadd.remote.s32 $0x1  }
0x36: {  	_ =	sfence.sel $0xFFFF  }
0x37: {  	[dreg:$0x0] =	wrdreg $0xFFFFFFFF;
	(pc) =	sbr.abs _section_cstart, $3  }
0x38: {  	[dreg:$0x1] =	wrdreg $0xFFFFFFFF  }
0x39: {  	_ =	task.clear_ibuf [dreg:s7], $0x2FFFF;
	_ =	strace $0x9FFFFFFF  }
0x3a: {  	(tm) =	ssettm $0x7FFFFFFF  }
0x3b: {  	_ =	shalt  }
tec
execute0_lowered:
.L_overlay_start_1:
0x0: {  	(tag) =	ssettag $0x1  }
0x1: {  	s0 =	srdreg.scid;
	s7 =	rddreg [dreg:$0x0]  }
0x2: {  	s2 =	rddreg [dreg:$0x1];
	s1 =	stileid.u32;
	s31 =	simm.s32 $0x2  }
0x3: {  	s14 =	simm.s32 $0x0;
	p0 =	por $0x0, $0x0;
	s0 =	sshll.u32 s0, $0x7  }
0x4: {  	s10 =	simm.s32 $0x50400;
	s4 =	sshll.u32 s1, $0x7;
	s3 =	sand.u32 $0x80, s0  }
0x5: {  	s13 =	simm.s32 $0x0;
	s6 =	ssub.s32 $0xA000, s4;
	s5 =	ssub.s32 $0x100, s3  }
0x6: {  	s12 =	simm.s32 $0x0;
	s6 =	sshrl.u32 s6, $0xB;
	s8 =	sshrl.u32 s5, $0x7  }
.Ltmp0:
0x7: {  	s9 =	sshrl.u32 s5, $0x8;
	s8 =	sand.u32 $0x1, s8;
	(pc) =	sbr.rel .LBB1_1-.Ltmp0, $4  }
0x8: {  	s0 =	rddreg [dreg:$0x2];
	s6 =	sadd.s32 $0x1, s6;
	s8 =	sadd.s32 s9, s8  }
0x9: {  	_ =	strace $0x8000004D;
	s5 =	simm.s32 $0x1;
	s6 =	smul.u32 s6, s8  }
0xa: {  	s7 =	sadd.s32 $0x1000, s7;
	s11 =	smov.u32 s4;
	[sflag:s5] =	ssyncpa.u1 $0x0  }
0xb: {  	[sflag:s31] =	ssyncpa.u1 $0x0;
	s8 =	sshll.u32 s3, $0x3;
	s9 =	sadd.s32 $0x1, s6  }
.LBB1_4:
0xc: {  	s14 =	sshrl.u32 s14, $0x3  }
0xd: {  	s20 =	sshll.u32 s13, $0x3;
	s14 =	smul.u32 $0x50400, s14  }
0xe: {  	v5 =	vld [tilespmem:s18+$0xFFFFFFD0];
	[tilespmem:s17+$0x2040 ss:$0x81] =	vst.msk $0xffff, v4;
	s20 =	sand.u32 $0xFFFFFC00, s20  }
0xf: {  	v58 =	vld [tilespmem:s18+$0xFFFFFFE0];
	[tilespmem:s17+$0x2850 ss:$0x81] =	vst.msk $0xffff, v3;
	s30 =	sand.u32 $0x7F, s13;
	s14 =	sadd.s32 s20, s14  }
0x10: {  	s19 =	sshra.s32 s19, $0x2;
	v59 =	vld [tilespmem:s18+$0xFFFFFFF0];
	[tilespmem:s17+$0x3060 ss:$0x81] =	vst.msk $0xffff, v2;
	s13 =	sor.u32 s30, s14  }
0x11: {  	v60 =	vld [tilespmem:s18+$0x0];
	[tilespmem:s17+$0x0 ss:$0x81] =	vst.msk $0xffff, v0;
	s16 =	sadd.s32 s19, s16;
	s31 =	smulhi.u32 $0xCC29786D, s13  }
0x12: {  	v61 =	vld [tilespmem:s18+$0x10];
	[tilespmem:s16+$0x3870 ss:$0x81] =	vst.msk $0xffff, v1  }
0x13: {  	v62 =	vld [tilespmem:s18+$0x20];
	s14 =	smulhi.u32 $0xCC29786D, s14;
	[tilespmem:s16+$0x810 ss:$0x81] =	vst.msk $0xffff, v5;
	s17 =	sshrl.u32 s31, $0xF  }
0x14: {  	v63 =	vld [tilespmem:s18+$0xFFFFFFC0];
	[tilespmem:s16+$0x1020 ss:$0x81] =	vst.msk $0xffff, v58;
	s17 =	smul.u32 $0xA080, s17  }
0x15: {  	[tilespmem:s16+$0x1830 ss:$0x81] =	vst.msk $0xffff, v59;
	s14 =	sshrl.u32 s14, $0xF  }
0x16: {  	[tilespmem:s16+$0x2040 ss:$0x81] =	vst.msk $0xffff, v60;
	s14 =	sand.u32 $0xFF, s14;
	s13 =	ssub.s32 s13, s17  }
0x17: {  	[tilespmem:s16+$0x2850 ss:$0x81] =	vst.msk $0xffff, v61;
	s14 =	smul.u32 $0x1410, s14;
	s17 =	sshrl.u32 s13, $0x3;
	s13 =	sand.u32 $0x7, s13  }
0x18: {  	[tilespmem:s16+$0x3060 ss:$0x81] =	vst.msk $0xffff, v62;
	s17 =	sadd.s32 s2, s17;
	s13 =	sshll.u32 s13, $0x12  }
0x19: {  	[tilespmem:s16+$0x0 ss:$0x81] =	vst.msk $0xffff, v63;
	s14 =	sadd.s32 s14, s17;
	s13 =	sor.u32 $0x400, s13  }
0x1a: {  	[hbm4b:s14+s13] =	stream.strided.scatter [tilespmem:s15], [sflag:$0x2], $0x4000, s10, s13, $0x20;
	[tilespmem:$0x10100] =	vst v63  }
.LBB1_5:
0x1b: {  	s15 =	sadd.s32 $0x800, s11  }
0x1c: {  	p2 =	sgt.s32 s15, $0xA001  }
0x1d: {  	s15 =	smov.u32 @p2 s4;
	p2 =	sne.s32 s12, s9  }
.Ltmp1:
0x1e: {  	p1 =	slt.u32 s12, $0x2;
	(pc) =	sbr.rel @!p2 .LBB1_6-.Ltmp1, $4  }
0x1f: {  	s14 =	simm.s32 @!p1 $0x2  }
0x20: {  	s16 =	sadd.s32 $0x1, s12;
	s13 =	smov.u32 s11;
	_ =	swait.ge @!p1 [sflag:s14], $0x4000  }
0x21: {  	p0 =	por !p0, !p0;
	s12 =	smov.u32 s16;
	[sflag:s14] =	ssyncset.done @!p1 $0x0  }
0x22: {  	s11 =	smov.u32 s15;
	[sflag:s14] =	ssyncadd.s32 @!p1 $0xFFFFC000;
	s14 =	smov.u32 s3  }
.LBB1_1:
0x23: {  	p1 =	sge.u32 s12, s6  }
0x24: {  	s15 =	sshll.u32 @!p1 s11, $0x8  }
0x25: {  	s16 =	sshll.u32 @!p1 s11, $0x7;
	s15 =	sand.u32 @!p1 $0xFFFFF800, s15  }
0x26: {  	s16 =	sand.u32 @!p1 $0x300, s16;
	s15 =	sor.u32 @!p1 s8, s15  }
0x27: {  	s15 =	sor.u32 @!p1 s16, s15  }
0x28: {  	s17 =	smov.u32 s11;
	p2 =	sgt.s32 @!p1 s11, $0x9F88;
	s15 =	sshrl.u32 @!p1 s15, $0x8  }
0x29: {  	s18 =	sshra.s32 @!p1 s11, $0x1F;
	p2 =	por !p2, p1;
	s16 =	smulhi.u32 @!p1 $0xCCC29, s15  }
0x2a: {  	s31 =	sadd.s32 $0xFFFFFFFF, s12;
	s18 =	sand.u32 @!p1 s18, s11;
	s17 =	simm.s32 @p2 $0x9F88  }
0x2b: {  	s19 =	sxor.u32 @!p1 $0xFFFFFFFF, s12;
	s17 =	ssub.s32 @!p1 s17, s18;
	s16 =	sshrl.u32 @!p1 s16, $0x3  }
0x2c: {  	s18 =	sshll.u32 @!p1 s19, $0xE;
	s17 =	sadd.s32 @!p1 $0xFFFF6078, s17;
	s16 =	smul.u32 @!p1 $0xA008, s16  }
0x2d: {  	s19 =	simm.s32 @!p1 $0x800;
	s18 =	sand.u32 @!p1 $0x4000, s18;
	p2 =	sgt.s32 @!p1 s17, $0x7F  }
0x2e: {  	s15 =	ssub.s32 @!p1 s15, s16;
	s16 =	sshll.u32 @!p1 s17, $0x7;
	s17 =	sshll.u32 @!p1 s11, $0x4  }
0x2f: {  	p2 =	por !p2, p1;
	s16 =	ssub.s32 @!p1 $0x4000, s16;
	s17 =	sand.u32 @!p1 $0x10, s17  }
0x30: {  	s15 =	sshll.u32 @!p1 s15, $0x5;
	s16 =	sand.u32 @!p1 $0x3FFFFF80, s16;
	s17 =	sadd.s32 @!p1 s7, s17  }
0x31: {  	s16 =	simm.s32 @!p2 $0x0;
	s15 =	sadd.s32 @!p1 s15, s17;
	s17 =	simm.s32 @!p1 $0x400  }
0x32: {  	[tilespmem:s18], [sflag:$0x1] =	stream.strided.gather @!p1 [hbm4b:s15+s17], s16, s19, s17, $0x38;
	[tilespmem:$0x10100] =	vst v63  }
0x33: {  	p1 =	sge.u32 s31, s6  }
.Ltmp2:
0x34: {  	_ = 	snop;
	(pc) =	sbr.rel @p1 .LBB1_5-.Ltmp2, $1  }
0x35: {  	_ =	sdelay $0x3  }
0x36: {  	p1 =	sgt.s32 s13, $0x9F88;
	s15 =	smov.u32 s13;
	s16 =	sshra.s32 s13, $0x1F  }
0x37: {  	s15 =	simm.s32 @!p1 $0x9F88;
	s16 =	sand.u32 s16, s13  }
0x38: {  	s15 =	ssub.s32 s15, s16  }
0x39: {  	s15 =	sadd.s32 $0xFFFF6078, s15  }
0x3a: {  	s29 =	sshll.u32 s15, $0x7  }
0x3b: {  	s16 =	ssub.s32 $0x4000, s29  }
0x3c: {  	p1 =	sgt.s32 s15, $0x7F;
	s15 =	sand.u32 $0x3FFFFF80, s16  }
0x3d: {  	s16 =	simm.s32 $0x1;
	s15 =	simm.s32 @p1 $0x0  }
0x3e: {  	s16 =	simm.s32 @!p0 $0x0;
	_ =	swait.ge [sflag:s5], s15  }
0x3f: {  	s17 =	sshll.u32 s16, $0xE;
	s15 =	ssub.s32 $0x0, s15;
	[sflag:s5] =	ssyncset.done $0x0  }
0x40: {  	s18 =	sor.u32 $0x40, s17;
	[sflag:s5] =	ssyncadd.s32 s15  }
0x41: {  	s30 =	smul.u32 $0x10200, s16;
	v0 =	vld [tilespmem:s18+$0x30]  }
0x42: {  	v1 =	vld [tilespmem:s18+$0xFFFFFFD0]  }
0x43: {  	s15 =	sshrl.u32 s30, $0x2;
	v5 =	vld [tilespmem:s18+$0xFFFFFFE0]  }
0x44: {  	s16 =	sor.u32 $0x8000, s15;
	v6 =	vld [tilespmem:s18+$0xFFFFFFF0]  }
0x45: {  	s31 =	sand.u32 $0x1, s12;
	v4 =	vld [tilespmem:s18+$0x0];
	s17 =	sadd.s32 $0x0, s16  }
0x46: {  	s15 =	smul.u32 $0x10200, s31;
	v3 =	vld [tilespmem:s18+$0x10];
	[tilespmem:s17+$0x3870 ss:$0x81] =	vst.msk $0xffff, v0  }
0x47: {  	v2 =	vld [tilespmem:s18+$0x20];
	[tilespmem:s17+$0x810 ss:$0x81] =	vst.msk $0xffff, v1  }
0x48: {  	s15 =	sshrl.u32 s15, $0x2;
	v0 =	vld [tilespmem:s18+$0xFFFFFFC0];
	[tilespmem:s17+$0x1020 ss:$0x81] =	vst.msk $0xffff, v5;
	s18 =	sadd.s32 $0x80, s18  }
0x49: {  	s19 =	simm.s32 $0x4;
	s20 =	simm.s32 $0x8;
	s15 =	sor.u32 $0x8000, s15;
	[tilespmem:s17+$0x1830 ss:$0x81] =	vst.msk $0xffff, v6;
	v1 =	vld [tilespmem:s18+$0x30]  }
.LBB1_3:
0x4a: {  	p1 =	sne.s32 s20, $0x1FC;
	v5 =	vld [tilespmem:s18+$0xFFFFFFD0];
	[tilespmem:s17+$0x2040 ss:$0x81] =	vst.msk $0xffff, v4  }
0x4b: {  	v6 =	vld [tilespmem:s18+$0xFFFFFFE0];
	[tilespmem:s17+$0x2850 ss:$0x81] =	vst.msk $0xffff, v3  }
0x4c: {  	s21 =	sshra.s32 s19, $0x2;
	s19 =	smov.u32 s20;
	v7 =	vld [tilespmem:s18+$0xFFFFFFF0];
	[tilespmem:s17+$0x3060 ss:$0x81] =	vst.msk $0xffff, v2  }
.Ltmp3:
0x4d: {  	v4 =	vld [tilespmem:s18+$0x0];
	[tilespmem:s17+$0x0 ss:$0x81] =	vst.msk $0xffff, v0;
	s17 =	sadd.s32 s21, s16;
	(pc) =	sbr.rel @p1 .LBB1_3-.Ltmp3, $4  }
0x4e: {  	v3 =	vld [tilespmem:s18+$0x10];
	[tilespmem:s17+$0x3870 ss:$0x81] =	vst.msk $0xffff, v1  }
0x4f: {  	[tilespmem:s17+$0x810 ss:$0x81] =	vst.msk $0xffff, v5;
	v2 =	vld [tilespmem:s18+$0x20]  }
0x50: {  	v0 =	vld [tilespmem:s18+$0xFFFFFFC0];
	[tilespmem:s17+$0x1020 ss:$0x81] =	vst.msk $0xffff, v6;
	s18 =	sadd.s32 $0x80, s18  }
0x51: {  	s20 =	sadd.s32 $0x4, s20;
	v1 =	vld [tilespmem:s18+$0x30];
	[tilespmem:s17+$0x1830 ss:$0x81] =	vst.msk $0xffff, v7  }
.Ltmp4:
0x52: {  	_ = 	snop;
	(pc) =	sbr.rel .LBB1_4-.Ltmp4, $1  }
0x53: {  	_ =	sdelay $0x3  }
.LBB1_6:
0x54: {  	_ =	sfence.sel $0x180000  }
0x55: {  	s2 =	simm.s32 $0x1;
	[bflag:$0x0] =	sbarrier.arrive $0xFFFF  }
0x56: {  	s31 =	simm.s32 $0x2;
	[sflag:s2] =	ssyncpa.u1 $0x1  }
0x57: {  	[sflag:s31] =	ssyncpa.u1 $0x1  }
0x58: {  	p0 =	sne.s32 s1, $0x0;
	_ =	strace $0x9000004D  }
0x59: {  	s0 =	sadd.s32 @!p0 $0x100000, s0;
	[bflag:$0x2] =	sbarrier.arrive $0xFFFF  }
0x5a: {  	[sflag:s0] =	ssyncadd.tile.s32 @!p0 $0x1;
	_ =	shalt  }
.Lfunc_end1:
_tile_overlayer_lowered:
.L_overlay_start_2:
0x5b: {  	(tag) =	ssettag $0x2  }
0x5c: {  	s0 =	rddreg [dreg:$0x0];
	s2 =	stileid.u32  }
0x5d: {  	s1 =	rddreg [dreg:$0x1];
	p0 =	sne.s32 s2, $0x0  }
0x5e: {  	s3 =	rddreg [dreg:$0x2];
	[bflag:$0x3] =	sbarrier.arrive $0xFFFF;
	s2 =	simm.s32 @!p0 $0x1C01  }
0x5f: {  	[timem:s3], [sflag:s2] =	dma.local @!p0 [hbm:s0], s1  }
0x60: {  	s0 =	simm.s32 @!p0 $0x1  }
0x61: {  	_ =	swait.ge @!p0 [sflag:s0], s1  }
0x62: {  	s1 =	ssub.s32 @!p0 $0x0, s1;
	[sflag:s0] =	ssyncset.done @!p0 $0x0  }
0x63: {  	[sflag:s0] =	ssyncadd.s32 @!p0 s1  }
0x64: {  	[bflag:$0x3] =	sbarrier.arrive $0xFFFF  }
0x65: {  	_ =	shalt  }

</sc_bundles>
